<compile_context>
chip_gen: v7x
topology: tpu7x:2x2x1
jax: 0.10.2.dev20260603
libtpu: 0.0.44.dev20260713+nightly
codegen_flags: <defaults>
</compile_context>

<pallas_src>
import jax
import jax.numpy as jnp
from jax import lax
from jax.experimental import pallas as pl
from jax.experimental.pallas import tpu as pltpu
from jax.experimental.pallas import tpu_sc as plsc

B, T = 16, 4096
P = 8
D = 16
NC, NS = 2, 16
NW = NC * NS
NPATCH = (B * T) // P
PPW = NPATCH // NW
TPW = PPW * P
HALF = PPW // 2
L = 16
NSTAGE = 16
ROWS_PER_STAGE = 256 // NSTAGE


def _sc_body(table_hbm, x_hbm, out_hbm, table_sh, x_v, idx_v, acc_v, tbl_v,
             sem, sem_x, sem_t):
    sid = lax.axis_index("s")
    wid = sid * NC + lax.axis_index("c")
    b = wid // 2
    half_id = wid % 2

    xc = pltpu.async_copy(x_hbm.at[b, pl.ds(half_id * TPW, TPW)], x_v, sem_x)

    r0 = sid * ROWS_PER_STAGE
    tc = pltpu.async_copy(
        table_hbm.at[pl.ds(r0, ROWS_PER_STAGE)], tbl_v, sem_t)

    zero = jnp.zeros((D,), jnp.float32)

    def zero_body(i, _):
        acc_v[i, :] = zero
        return 0

    lax.fori_loop(0, PPW, zero_body, 0, unroll=8)

    scale = jnp.full((D,), 1.0 / P, dtype=jnp.float32)
    tc.wait()
    for i in range(ROWS_PER_STAGE):
        tbl_v[i, :] = tbl_v[i, :] * scale
    pltpu.sync_copy(tbl_v, table_sh.at[pl.ds(r0, ROWS_PER_STAGE)])

    xc.wait()

    lane8 = lax.iota(jnp.int32, L) * P
    for t in range(P):
        for j0 in range(0, PPW, L):
            idx_v[t, pl.ds(j0, L)] = plsc.load_gather(
                x_v, [lane8 + (j0 * P + t)])

    plsc.subcore_barrier()

    adds = [
        pltpu.async_copy(table_sh.at[idx_v.at[t]], acc_v, sem, add=True)
        for t in range(P)
    ]
    for c in adds:
        c.wait()

    pltpu.sync_copy(acc_v, out_hbm.at[b, pl.ds(half_id * PPW, PPW), :])


_mesh = plsc.VectorSubcoreMesh(
    core_axis_name="c", subcore_axis_name="s", num_cores=NC, num_subcores=NS
)

_patch_pool = pl.kernel(
    _sc_body,
    out_type=jax.ShapeDtypeStruct((B, T // P, D), jnp.float32),
    mesh=_mesh,
    scratch_types=[
        pltpu.VMEM_SHARED((256, D), jnp.float32),
        pltpu.VMEM((TPW,), jnp.int32),
        pltpu.VMEM((P, PPW), jnp.int32),
        pltpu.VMEM((PPW, D), jnp.float32),
        pltpu.VMEM((ROWS_PER_STAGE, D), jnp.float32),
        pltpu.SemaphoreType.DMA,
        pltpu.SemaphoreType.DMA,
        pltpu.SemaphoreType.DMA,
    ],
    compiler_params=pltpu.CompilerParams(
        use_tc_tiling_on_sc=False, needs_layout_passes=False),
)


def kernel(x_u8, byte_embed):
    return _patch_pool(byte_embed, x_u8)

# --- scband reference (transcript-rebuilt; emitter-appended) ---
"""Pipeline reference for scband-dynamic-bltpatcher-71597104825034 (READ-ONLY COPY).

The authoritative reference and input builder live on the scoring server;
editing this copy changes nothing except your own understanding.
"""

import jax, jax.numpy as jnp
import numpy as np

B, T = 16, 4096
P = 8  # max_patch_size, heuristic='fixed'
D = 16  # d_model

def setup_inputs(seed: int = 0) -> dict:
    key = jax.random.key(seed)
    k1, k2 = jax.random.split(key)
    x_u8 = jax.random.randint(k1, (B, T), 0, 256, dtype=jnp.int32)
    byte_embed = jax.random.normal(k2, (256, D), dtype=jnp.float32)
    return {"x_u8": x_u8, "byte_embed": byte_embed}

def reference(x_u8, byte_embed):
    # heuristic='fixed': spans are consecutive chunks of size max_patch_size.
    # T is divisible by P, so every sequence yields T//P patches of size P;
    # each patch vector is the mean of its byte embeddings. No padding needed
    # since all batch elements produce the same patch count.
    emb = jnp.take(byte_embed, x_u8, axis=0)          # [B, T, D] gather
    patches = emb.reshape(B, T // P, P, D)            # [B, 512, 8, D]
    out = patches.mean(axis=2)                        # [B, 512, D]
    return out

if __name__ == "__main__":
    import jax
    _d = setup_inputs()
    print(jax.jit(kernel)(*tuple(_d.values())))

</pallas_src>

<mosaic_0001>
#map = affine_map<(d0, d1) -> (0, 0)>
#map1 = affine_map<(d0, d1) -> (0, 0, 0)>
module attributes {stable_mosaic.version = 14 : i64} {
  func.func @_sc_body(%arg0: i32, %arg1: i32, %arg2: memref<256x16xf32, #tpu.memory_space<hbm>>, %arg3: memref<16x4096xi32, #tpu.memory_space<hbm>>, %arg4: memref<16x512x16xf32, #tpu.memory_space<hbm>>, %arg5: memref<256x16xf32, #tpu.memory_space<vmem_shared>>, %arg6: memref<2048xi32, #tpu.memory_space<vmem>>, %arg7: memref<8x256xi32, #tpu.memory_space<vmem>>, %arg8: memref<256x16xf32, #tpu.memory_space<vmem>>, %arg9: memref<16x16xf32, #tpu.memory_space<vmem>>, %arg10: memref<!tpu.dma_semaphore, #tpu.memory_space<semaphore_mem>>, %arg11: memref<!tpu.dma_semaphore, #tpu.memory_space<semaphore_mem>>, %arg12: memref<!tpu.dma_semaphore, #tpu.memory_space<semaphore_mem>>) attributes {dimension_semantics = [#tpu.dimension_semantics<core_parallel>, #tpu.dimension_semantics<subcore_parallel>], iteration_bounds = array<i64: 2, 16>, scalar_prefetch = 0 : i64, scratch_operands = 8 : i64, tpu.core_type = #tpu.core_type<sc_vector_subcore>, window_params = [{transform_indices = #map}, {transform_indices = #map}, {transform_indices = #map1}]} {
    %mul3A = arith.constant 2 : i32
    %mul3A_0 = arith.muli %arg1, %mul3A : i32
    %add3A = arith.addi %mul3A_0, %arg0 : i32
    %jit3A = arith.constant 2 : i32
    %div3A = arith.divsi %add3A, %jit3A : i32
    %sign3A = arith.constant 0 : i32
    %sign3A_1 = arith.cmpi sgt, %add3A, %sign3A : i32
    %sign3A_2 = arith.extui %sign3A_1 : i1 to i32
    %sign3A_3 = arith.constant 0 : i32
    %sign3A_4 = arith.cmpi slt, %add3A, %sign3A_3 : i32
    %sign3A_5 = arith.extui %sign3A_4 : i1 to i32
    %sign3A_6 = arith.subi %sign3A_2, %sign3A_5 : i32
    %sign3A_7 = arith.constant 0 : i32
    %sign3A_8 = arith.cmpi sgt, %jit3A, %sign3A_7 : i32
    %sign3A_9 = arith.extui %sign3A_8 : i1 to i32
    %sign3A_10 = arith.constant 0 : i32
    %sign3A_11 = arith.cmpi slt, %jit3A, %sign3A_10 : i32
    %sign3A_12 = arith.extui %sign3A_11 : i1 to i32
    %sign3A_13 = arith.subi %sign3A_9, %sign3A_12 : i32
    %ne3A = arith.cmpi ne, %sign3A_6, %sign3A_13 : i32
    %rem3A = arith.remsi %add3A, %jit3A : i32
    %ne3A_14 = arith.constant 0 : i32
    %ne3A_15 = arith.cmpi ne, %rem3A, %ne3A_14 : i32
    %and3A = arith.andi %ne3A, %ne3A_15 : i1
    %sub3A = arith.constant 1 : i32
    %sub3A_16 = arith.subi %div3A, %sub3A : i32
    %select_n3A = arith.select %and3A, %sub3A_16, %div3A : i32
    %jit3A_17 = arith.constant 2 : i32
    %eq3A = arith.constant 0 : i32
    %eq3A_18 = arith.cmpi eq, %jit3A_17, %eq3A : i32
    %jit3A_19 = arith.constant 1 : i32
    %select_n3A_20 = arith.select %eq3A_18, %jit3A_19, %jit3A_17 : i32
    %rem3A_21 = arith.remsi %add3A, %select_n3A_20 : i32
    %ne3A_22 = arith.constant 0 : i32
    %ne3A_23 = arith.cmpi ne, %rem3A_21, %ne3A_22 : i32
    %lt3A = arith.constant 0 : i32
    %lt3A_24 = arith.cmpi slt, %rem3A_21, %lt3A : i32
    %lt3A_25 = arith.constant 0 : i32
    %lt3A_26 = arith.cmpi slt, %select_n3A_20, %lt3A_25 : i32
    %ne3A_27 = arith.xori %lt3A_24, %lt3A_26 : i1
    %and3A_28 = arith.andi %ne3A_27, %ne3A_23 : i1
    %add3A_29 = arith.addi %rem3A_21, %select_n3A_20 : i32
    %select_n3A_30 = arith.select %and3A_28, %add3A_29, %rem3A_21 : i32
    %mul3A_31 = arith.constant 2048 : i32
    %mul3A_32 = arith.muli %select_n3A_30, %mul3A_31 : i32
    %dma_start3A = tpu.memref_slice %arg3[%select_n3A, %mul3A_32] : memref<16x4096xi32, #tpu.memory_space<hbm>> -> memref<1x2048xi32, #tpu.memory_space<hbm>>
    %dma_start3A_33 = tpu.memref_squeeze %dma_start3A : memref<1x2048xi32, #tpu.memory_space<hbm>> -> memref<2048xi32, #tpu.memory_space<hbm>>
    %dma_start3A_34 = tpu.memref_slice %arg3[%select_n3A, %mul3A_32] : memref<16x4096xi32, #tpu.memory_space<hbm>> -> memref<1x2048xi32, #tpu.memory_space<hbm>>
    %dma_start3A_35 = tpu.memref_squeeze %dma_start3A_34 : memref<1x2048xi32, #tpu.memory_space<hbm>> -> memref<2048xi32, #tpu.memory_space<hbm>>
    tpu.enqueue_dma source(%dma_start3A_35 : memref<2048xi32, #tpu.memory_space<hbm>>) target(%arg6 : memref<2048xi32, #tpu.memory_space<vmem>>) target_semaphore(%arg11 : memref<!tpu.dma_semaphore, #tpu.memory_space<semaphore_mem>>)
    %mul3A_36 = arith.constant 16 : i32
    %mul3A_37 = arith.muli %arg1, %mul3A_36 : i32
    %dma_start3A_38 = arith.constant 0 : i32
    %dma_start3A_39 = tpu.memref_slice %arg2[%mul3A_37, %dma_start3A_38] : memref<256x16xf32, #tpu.memory_space<hbm>> -> memref<16x16xf32, #tpu.memory_space<hbm>>
    %dma_start3A_40 = arith.constant 0 : i32
    %dma_start3A_41 = tpu.memref_slice %arg2[%mul3A_37, %dma_start3A_40] : memref<256x16xf32, #tpu.memory_space<hbm>> -> memref<16x16xf32, #tpu.memory_space<hbm>>
    tpu.enqueue_dma source(%dma_start3A_41 : memref<16x16xf32, #tpu.memory_space<hbm>>) target(%arg9 : memref<16x16xf32, #tpu.memory_space<vmem>>) target_semaphore(%arg12 : memref<!tpu.dma_semaphore, #tpu.memory_space<semaphore_mem>>)
    %broadcast_in_dim3A = arith.constant 0.000000e+00 : f32
    %broadcast_in_dim3A_42 = vector.broadcast %broadcast_in_dim3A : f32 to vector<16xf32>
    %scan3A = arith.constant 0 : i32
    %scan3A_43 = arith.constant 0 : i32
    %scan3A_44 = arith.constant 256 : i32
    %scan3A_45 = arith.addi %scan3A_43, %scan3A_44 : i32
    %scan3A_46 = arith.constant 8 : i32
    %scan3A_47 = scf.for %scan3A_1340 = %scan3A_43 to %scan3A_45 step %scan3A_46 iter_args(%scan3A_1341 = %scan3A) -> (i32)  : i32 {
      %swap3A_1342 = arith.index_cast %scan3A_1340 : i32 to index
      %swap3A_1343 = arith.constant 0 : index
      %swap3A_1344 = tpu.vector_load %arg8[%swap3A_1342, %swap3A_1343] {strides = array<i32>} : memref<256x16xf32, #tpu.memory_space<vmem>>, vector<16xf32>,
      tpu.vector_store %arg8[%swap3A_1342, %swap3A_1343], %broadcast_in_dim3A_42 {strides = array<i32>} : memref<256x16xf32, #tpu.memory_space<vmem>>, vector<16xf32>,
      %scan3A_1345 = arith.constant 0 : i32
      %scan3A_1346 = arith.constant 1 : i32
      %scan3A_1347 = arith.addi %scan3A_1340, %scan3A_1346 : i32
      %swap3A_1348 = arith.index_cast %scan3A_1347 : i32 to index
      %swap3A_1349 = arith.constant 0 : index
      %swap3A_1350 = tpu.vector_load %arg8[%swap3A_1348, %swap3A_1349] {strides = array<i32>} : memref<256x16xf32, #tpu.memory_space<vmem>>, vector<16xf32>,
      tpu.vector_store %arg8[%swap3A_1348, %swap3A_1349], %broadcast_in_dim3A_42 {strides = array<i32>} : memref<256x16xf32, #tpu.memory_space<vmem>>, vector<16xf32>,
      %scan3A_1351 = arith.constant 0 : i32
      %scan3A_1352 = arith.constant 2 : i32
      %scan3A_1353 = arith.addi %scan3A_1340, %scan3A_1352 : i32
      %swap3A_1354 = arith.index_cast %scan3A_1353 : i32 to index
      %swap3A_1355 = arith.constant 0 : index
      %swap3A_1356 = tpu.vector_load %arg8[%swap3A_1354, %swap3A_1355] {strides = array<i32>} : memref<256x16xf32, #tpu.memory_space<vmem>>, vector<16xf32>,
      tpu.vector_store %arg8[%swap3A_1354, %swap3A_1355], %broadcast_in_dim3A_42 {strides = array<i32>} : memref<256x16xf32, #tpu.memory_space<vmem>>, vector<16xf32>,
      %scan3A_1357 = arith.constant 0 : i32
      %scan3A_1358 = arith.constant 3 : i32
      %scan3A_1359 = arith.addi %scan3A_1340, %scan3A_1358 : i32
      %swap3A_1360 = arith.index_cast %scan3A_1359 : i32 to index
      %swap3A_1361 = arith.constant 0 : index
      %swap3A_1362 = tpu.vector_load %arg8[%swap3A_1360, %swap3A_1361] {strides = array<i32>} : memref<256x16xf32, #tpu.memory_space<vmem>>, vector<16xf32>,
      tpu.vector_store %arg8[%swap3A_1360, %swap3A_1361], %broadcast_in_dim3A_42 {strides = array<i32>} : memref<256x16xf32, #tpu.memory_space<vmem>>, vector<16xf32>,
      %scan3A_1363 = arith.constant 0 : i32
      %scan3A_1364 = arith.constant 4 : i32
      %scan3A_1365 = arith.addi %scan3A_1340, %scan3A_1364 : i32
      %swap3A_1366 = arith.index_cast %scan3A_1365 : i32 to index
      %swap3A_1367 = arith.constant 0 : index
      %swap3A_1368 = tpu.vector_load %arg8[%swap3A_1366, %swap3A_1367] {strides = array<i32>} : memref<256x16xf32, #tpu.memory_space<vmem>>, vector<16xf32>,
      tpu.vector_store %arg8[%swap3A_1366, %swap3A_1367], %broadcast_in_dim3A_42 {strides = array<i32>} : memref<256x16xf32, #tpu.memory_space<vmem>>, vector<16xf32>,
      %scan3A_1369 = arith.constant 0 : i32
      %scan3A_1370 = arith.constant 5 : i32
      %scan3A_1371 = arith.addi %scan3A_1340, %scan3A_1370 : i32
      %swap3A_1372 = arith.index_cast %scan3A_1371 : i32 to index
      %swap3A_1373 = arith.constant 0 : index
      %swap3A_1374 = tpu.vector_load %arg8[%swap3A_1372, %swap3A_1373] {strides = array<i32>} : memref<256x16xf32, #tpu.memory_space<vmem>>, vector<16xf32>,
      tpu.vector_store %arg8[%swap3A_1372, %swap3A_1373], %broadcast_in_dim3A_42 {strides = array<i32>} : memref<256x16xf32, #tpu.memory_space<vmem>>, vector<16xf32>,
      %scan3A_1375 = arith.constant 0 : i32
      %scan3A_1376 = arith.constant 6 : i32
      %scan3A_1377 = arith.addi %scan3A_1340, %scan3A_1376 : i32
      %swap3A_1378 = arith.index_cast %scan3A_1377 : i32 to index
      %swap3A_1379 = arith.constant 0 : index
      %swap3A_1380 = tpu.vector_load %arg8[%swap3A_1378, %swap3A_1379] {strides = array<i32>} : memref<256x16xf32, #tpu.memory_space<vmem>>, vector<16xf32>,
      tpu.vector_store %arg8[%swap3A_1378, %swap3A_1379], %broadcast_in_dim3A_42 {strides = array<i32>} : memref<256x16xf32, #tpu.memory_space<vmem>>, vector<16xf32>,
      %scan3A_1381 = arith.constant 0 : i32
      %scan3A_1382 = arith.constant 7 : i32
      %scan3A_1383 = arith.addi %scan3A_1340, %scan3A_1382 : i32
      %swap3A_1384 = arith.index_cast %scan3A_1383 : i32 to index
      %swap3A_1385 = arith.constant 0 : index
      %swap3A_1386 = tpu.vector_load %arg8[%swap3A_1384, %swap3A_1385] {strides = array<i32>} : memref<256x16xf32, #tpu.memory_space<vmem>>, vector<16xf32>,
      tpu.vector_store %arg8[%swap3A_1384, %swap3A_1385], %broadcast_in_dim3A_42 {strides = array<i32>} : memref<256x16xf32, #tpu.memory_space<vmem>>, vector<16xf32>,
      %scan3A_1387 = arith.constant 0 : i32
      scf.yield %scan3A_1387 : i32
    }
    %scan3A_48 = arith.constant 256 : i32
    %broadcast_in_dim3A_49 = arith.constant 1.250000e-01 : f32
    %broadcast_in_dim3A_50 = vector.broadcast %broadcast_in_dim3A_49 : f32 to vector<16xf32>
    %dma_wait3A = arith.constant 0 : i32
    %dma_wait3A_51 = tpu.memref_slice %arg2[%mul3A_37, %dma_wait3A] : memref<256x16xf32, #tpu.memory_space<hbm>> -> memref<16x16xf32, #tpu.memory_space<hbm>>
    %dma_wait3A_52 = arith.constant 0 : i32
    %dma_wait3A_53 = tpu.memref_slice %arg2[%mul3A_37, %dma_wait3A_52] : memref<256x16xf32, #tpu.memory_space<hbm>> -> memref<16x16xf32, #tpu.memory_space<hbm>>
    tpu.wait_dma2 semaphore(%arg12 : memref<!tpu.dma_semaphore, #tpu.memory_space<semaphore_mem>>) src(%dma_wait3A_53 : memref<16x16xf32, #tpu.memory_space<hbm>>) dst(%arg9 : memref<16x16xf32, #tpu.memory_space<vmem>>)
    %get3A = arith.constant 0 : i32
    %get3A_54 = arith.index_cast %get3A : i32 to index
    %get3A_55 = arith.constant 0 : index
    %get3A_56 = tpu.vector_load %arg9[%get3A_54, %get3A_55] {strides = array<i32>} : memref<16x16xf32, #tpu.memory_space<vmem>>, vector<16xf32>,
    %mul3A_57 = arith.mulf %get3A_56, %broadcast_in_dim3A_50 : vector<16xf32>
    %swap3A = arith.constant 0 : i32
    %swap3A_58 = arith.index_cast %swap3A : i32 to index
    %swap3A_59 = arith.constant 0 : index
    %swap3A_60 = tpu.vector_load %arg9[%swap3A_58, %swap3A_59] {strides = array<i32>} : memref<16x16xf32, #tpu.memory_space<vmem>>, vector<16xf32>,
    tpu.vector_store %arg9[%swap3A_58, %swap3A_59], %mul3A_57 {strides = array<i32>} : memref<16x16xf32, #tpu.memory_space<vmem>>, vector<16xf32>,
    %get3A_61 = arith.constant 1 : i32
    %get3A_62 = arith.index_cast %get3A_61 : i32 to index
    %get3A_63 = arith.constant 0 : index
    %get3A_64 = tpu.vector_load %arg9[%get3A_62, %get3A_63] {strides = array<i32>} : memref<16x16xf32, #tpu.memory_space<vmem>>, vector<16xf32>,
    %mul3A_65 = arith.mulf %get3A_64, %broadcast_in_dim3A_50 : vector<16xf32>
    %swap3A_66 = arith.constant 1 : i32
    %swap3A_67 = arith.index_cast %swap3A_66 : i32 to index
    %swap3A_68 = arith.constant 0 : index
    %swap3A_69 = tpu.vector_load %arg9[%swap3A_67, %swap3A_68] {strides = array<i32>} : memref<16x16xf32, #tpu.memory_space<vmem>>, vector<16xf32>,
    tpu.vector_store %arg9[%swap3A_67, %swap3A_68], %mul3A_65 {strides = array<i32>} : memref<16x16xf32, #tpu.memory_space<vmem>>, vector<16xf32>,
    %get3A_70 = arith.constant 2 : i32
    %get3A_71 = arith.index_cast %get3A_70 : i32 to index
    %get3A_72 = arith.constant 0 : index
    %get3A_73 = tpu.vector_load %arg9[%get3A_71, %get3A_72] {strides = array<i32>} : memref<16x16xf32, #tpu.memory_space<vmem>>, vector<16xf32>,
    %mul3A_74 = arith.mulf %get3A_73, %broadcast_in_dim3A_50 : vector<16xf32>
    %swap3A_75 = arith.constant 2 : i32
    %swap3A_76 = arith.index_cast %swap3A_75 : i32 to index
    %swap3A_77 = arith.constant 0 : index
    %swap3A_78 = tpu.vector_load %arg9[%swap3A_76, %swap3A_77] {strides = array<i32>} : memref<16x16xf32, #tpu.memory_space<vmem>>, vector<16xf32>,
    tpu.vector_store %arg9[%swap3A_76, %swap3A_77], %mul3A_74 {strides = array<i32>} : memref<16x16xf32, #tpu.memory_space<vmem>>, vector<16xf32>,
    %get3A_79 = arith.constant 3 : i32
    %get3A_80 = arith.index_cast %get3A_79 : i32 to index
    %get3A_81 = arith.constant 0 : index
    %get3A_82 = tpu.vector_load %arg9[%get3A_80, %get3A_81] {strides = array<i32>} : memref<16x16xf32, #tpu.memory_space<vmem>>, vector<16xf32>,
    %mul3A_83 = arith.mulf %get3A_82, %broadcast_in_dim3A_50 : vector<16xf32>
    %swap3A_84 = arith.constant 3 : i32
    %swap3A_85 = arith.index_cast %swap3A_84 : i32 to index
    %swap3A_86 = arith.constant 0 : index
    %swap3A_87 = tpu.vector_load %arg9[%swap3A_85, %swap3A_86] {strides = array<i32>} : memref<16x16xf32, #tpu.memory_space<vmem>>, vector<16xf32>,
    tpu.vector_store %arg9[%swap3A_85, %swap3A_86], %mul3A_83 {strides = array<i32>} : memref<16x16xf32, #tpu.memory_space<vmem>>, vector<16xf32>,
    %get3A_88 = arith.constant 4 : i32
    %get3A_89 = arith.index_cast %get3A_88 : i32 to index
    %get3A_90 = arith.constant 0 : index
    %get3A_91 = tpu.vector_load %arg9[%get3A_89, %get3A_90] {strides = array<i32>} : memref<16x16xf32, #tpu.memory_space<vmem>>, vector<16xf32>,
    %mul3A_92 = arith.mulf %get3A_91, %broadcast_in_dim3A_50 : vector<16xf32>
    %swap3A_93 = arith.constant 4 : i32
    %swap3A_94 = arith.index_cast %swap3A_93 : i32 to index
    %swap3A_95 = arith.constant 0 : index
    %swap3A_96 = tpu.vector_load %arg9[%swap3A_94, %swap3A_95] {strides = array<i32>} : memref<16x16xf32, #tpu.memory_space<vmem>>, vector<16xf32>,
    tpu.vector_store %arg9[%swap3A_94, %swap3A_95], %mul3A_92 {strides = array<i32>} : memref<16x16xf32, #tpu.memory_space<vmem>>, vector<16xf32>,
    %get3A_97 = arith.constant 5 : i32
    %get3A_98 = arith.index_cast %get3A_97 : i32 to index
    %get3A_99 = arith.constant 0 : index
    %get3A_100 = tpu.vector_load %arg9[%get3A_98, %get3A_99] {strides = array<i32>} : memref<16x16xf32, #tpu.memory_space<vmem>>, vector<16xf32>,
    %mul3A_101 = arith.mulf %get3A_100, %broadcast_in_dim3A_50 : vector<16xf32>
    %swap3A_102 = arith.constant 5 : i32
    %swap3A_103 = arith.index_cast %swap3A_102 : i32 to index
    %swap3A_104 = arith.constant 0 : index
    %swap3A_105 = tpu.vector_load %arg9[%swap3A_103, %swap3A_104] {strides = array<i32>} : memref<16x16xf32, #tpu.memory_space<vmem>>, vector<16xf32>,
    tpu.vector_store %arg9[%swap3A_103, %swap3A_104], %mul3A_101 {strides = array<i32>} : memref<16x16xf32, #tpu.memory_space<vmem>>, vector<16xf32>,
    %get3A_106 = arith.constant 6 : i32
    %get3A_107 = arith.index_cast %get3A_106 : i32 to index
    %get3A_108 = arith.constant 0 : index
    %get3A_109 = tpu.vector_load %arg9[%get3A_107, %get3A_108] {strides = array<i32>} : memref<16x16xf32, #tpu.memory_space<vmem>>, vector<16xf32>,
    %mul3A_110 = arith.mulf %get3A_109, %broadcast_in_dim3A_50 : vector<16xf32>
    %swap3A_111 = arith.constant 6 : i32
    %swap3A_112 = arith.index_cast %swap3A_111 : i32 to index
    %swap3A_113 = arith.constant 0 : index
    %swap3A_114 = tpu.vector_load %arg9[%swap3A_112, %swap3A_113] {strides = array<i32>} : memref<16x16xf32, #tpu.memory_space<vmem>>, vector<16xf32>,
    tpu.vector_store %arg9[%swap3A_112, %swap3A_113], %mul3A_110 {strides = array<i32>} : memref<16x16xf32, #tpu.memory_space<vmem>>, vector<16xf32>,
    %get3A_115 = arith.constant 7 : i32
    %get3A_116 = arith.index_cast %get3A_115 : i32 to index
    %get3A_117 = arith.constant 0 : index
    %get3A_118 = tpu.vector_load %arg9[%get3A_116, %get3A_117] {strides = array<i32>} : memref<16x16xf32, #tpu.memory_space<vmem>>, vector<16xf32>,
    %mul3A_119 = arith.mulf %get3A_118, %broadcast_in_dim3A_50 : vector<16xf32>
    %swap3A_120 = arith.constant 7 : i32
    %swap3A_121 = arith.index_cast %swap3A_120 : i32 to index
    %swap3A_122 = arith.constant 0 : index
    %swap3A_123 = tpu.vector_load %arg9[%swap3A_121, %swap3A_122] {strides = array<i32>} : memref<16x16xf32, #tpu.memory_space<vmem>>, vector<16xf32>,
    tpu.vector_store %arg9[%swap3A_121, %swap3A_122], %mul3A_119 {strides = array<i32>} : memref<16x16xf32, #tpu.memory_space<vmem>>, vector<16xf32>,
    %get3A_124 = arith.constant 8 : i32
    %get3A_125 = arith.index_cast %get3A_124 : i32 to index
    %get3A_126 = arith.constant 0 : index
    %get3A_127 = tpu.vector_load %arg9[%get3A_125, %get3A_126] {strides = array<i32>} : memref<16x16xf32, #tpu.memory_space<vmem>>, vector<16xf32>,
    %mul3A_128 = arith.mulf %get3A_127, %broadcast_in_dim3A_50 : vector<16xf32>
    %swap3A_129 = arith.constant 8 : i32
    %swap3A_130 = arith.index_cast %swap3A_129 : i32 to index
    %swap3A_131 = arith.constant 0 : index
    %swap3A_132 = tpu.vector_load %arg9[%swap3A_130, %swap3A_131] {strides = array<i32>} : memref<16x16xf32, #tpu.memory_space<vmem>>, vector<16xf32>,
    tpu.vector_store %arg9[%swap3A_130, %swap3A_131], %mul3A_128 {strides = array<i32>} : memref<16x16xf32, #tpu.memory_space<vmem>>, vector<16xf32>,
    %get3A_133 = arith.constant 9 : i32
    %get3A_134 = arith.index_cast %get3A_133 : i32 to index
    %get3A_135 = arith.constant 0 : index
    %get3A_136 = tpu.vector_load %arg9[%get3A_134, %get3A_135] {strides = array<i32>} : memref<16x16xf32, #tpu.memory_space<vmem>>, vector<16xf32>,
    %mul3A_137 = arith.mulf %get3A_136, %broadcast_in_dim3A_50 : vector<16xf32>
    %swap3A_138 = arith.constant 9 : i32
    %swap3A_139 = arith.index_cast %swap3A_138 : i32 to index
    %swap3A_140 = arith.constant 0 : index
    %swap3A_141 = tpu.vector_load %arg9[%swap3A_139, %swap3A_140] {strides = array<i32>} : memref<16x16xf32, #tpu.memory_space<vmem>>, vector<16xf32>,
    tpu.vector_store %arg9[%swap3A_139, %swap3A_140], %mul3A_137 {strides = array<i32>} : memref<16x16xf32, #tpu.memory_space<vmem>>, vector<16xf32>,
    %get3A_142 = arith.constant 10 : i32
    %get3A_143 = arith.index_cast %get3A_142 : i32 to index
    %get3A_144 = arith.constant 0 : index
    %get3A_145 = tpu.vector_load %arg9[%get3A_143, %get3A_144] {strides = array<i32>} : memref<16x16xf32, #tpu.memory_space<vmem>>, vector<16xf32>,
    %mul3A_146 = arith.mulf %get3A_145, %broadcast_in_dim3A_50 : vector<16xf32>
    %swap3A_147 = arith.constant 10 : i32
    %swap3A_148 = arith.index_cast %swap3A_147 : i32 to index
    %swap3A_149 = arith.constant 0 : index
    %swap3A_150 = tpu.vector_load %arg9[%swap3A_148, %swap3A_149] {strides = array<i32>} : memref<16x16xf32, #tpu.memory_space<vmem>>, vector<16xf32>,
    tpu.vector_store %arg9[%swap3A_148, %swap3A_149], %mul3A_146 {strides = array<i32>} : memref<16x16xf32, #tpu.memory_space<vmem>>, vector<16xf32>,
    %get3A_151 = arith.constant 11 : i32
    %get3A_152 = arith.index_cast %get3A_151 : i32 to index
    %get3A_153 = arith.constant 0 : index
    %get3A_154 = tpu.vector_load %arg9[%get3A_152, %get3A_153] {strides = array<i32>} : memref<16x16xf32, #tpu.memory_space<vmem>>, vector<16xf32>,
    %mul3A_155 = arith.mulf %get3A_154, %broadcast_in_dim3A_50 : vector<16xf32>
    %swap3A_156 = arith.constant 11 : i32
    %swap3A_157 = arith.index_cast %swap3A_156 : i32 to index
    %swap3A_158 = arith.constant 0 : index
    %swap3A_159 = tpu.vector_load %arg9[%swap3A_157, %swap3A_158] {strides = array<i32>} : memref<16x16xf32, #tpu.memory_space<vmem>>, vector<16xf32>,
    tpu.vector_store %arg9[%swap3A_157, %swap3A_158], %mul3A_155 {strides = array<i32>} : memref<16x16xf32, #tpu.memory_space<vmem>>, vector<16xf32>,
    %get3A_160 = arith.constant 12 : i32
    %get3A_161 = arith.index_cast %get3A_160 : i32 to index
    %get3A_162 = arith.constant 0 : index
    %get3A_163 = tpu.vector_load %arg9[%get3A_161, %get3A_162] {strides = array<i32>} : memref<16x16xf32, #tpu.memory_space<vmem>>, vector<16xf32>,
    %mul3A_164 = arith.mulf %get3A_163, %broadcast_in_dim3A_50 : vector<16xf32>
    %swap3A_165 = arith.constant 12 : i32
    %swap3A_166 = arith.index_cast %swap3A_165 : i32 to index
    %swap3A_167 = arith.constant 0 : index
    %swap3A_168 = tpu.vector_load %arg9[%swap3A_166, %swap3A_167] {strides = array<i32>} : memref<16x16xf32, #tpu.memory_space<vmem>>, vector<16xf32>,
    tpu.vector_store %arg9[%swap3A_166, %swap3A_167], %mul3A_164 {strides = array<i32>} : memref<16x16xf32, #tpu.memory_space<vmem>>, vector<16xf32>,
    %get3A_169 = arith.constant 13 : i32
    %get3A_170 = arith.index_cast %get3A_169 : i32 to index
    %get3A_171 = arith.constant 0 : index
    %get3A_172 = tpu.vector_load %arg9[%get3A_170, %get3A_171] {strides = array<i32>} : memref<16x16xf32, #tpu.memory_space<vmem>>, vector<16xf32>,
    %mul3A_173 = arith.mulf %get3A_172, %broadcast_in_dim3A_50 : vector<16xf32>
    %swap3A_174 = arith.constant 13 : i32
    %swap3A_175 = arith.index_cast %swap3A_174 : i32 to index
    %swap3A_176 = arith.constant 0 : index
    %swap3A_177 = tpu.vector_load %arg9[%swap3A_175, %swap3A_176] {strides = array<i32>} : memref<16x16xf32, #tpu.memory_space<vmem>>, vector<16xf32>,
    tpu.vector_store %arg9[%swap3A_175, %swap3A_176], %mul3A_173 {strides = array<i32>} : memref<16x16xf32, #tpu.memory_space<vmem>>, vector<16xf32>,
    %get3A_178 = arith.constant 14 : i32
    %get3A_179 = arith.index_cast %get3A_178 : i32 to index
    %get3A_180 = arith.constant 0 : index
    %get3A_181 = tpu.vector_load %arg9[%get3A_179, %get3A_180] {strides = array<i32>} : memref<16x16xf32, #tpu.memory_space<vmem>>, vector<16xf32>,
    %mul3A_182 = arith.mulf %get3A_181, %broadcast_in_dim3A_50 : vector<16xf32>
    %swap3A_183 = arith.constant 14 : i32
    %swap3A_184 = arith.index_cast %swap3A_183 : i32 to index
    %swap3A_185 = arith.constant 0 : index
    %swap3A_186 = tpu.vector_load %arg9[%swap3A_184, %swap3A_185] {strides = array<i32>} : memref<16x16xf32, #tpu.memory_space<vmem>>, vector<16xf32>,
    tpu.vector_store %arg9[%swap3A_184, %swap3A_185], %mul3A_182 {strides = array<i32>} : memref<16x16xf32, #tpu.memory_space<vmem>>, vector<16xf32>,
    %get3A_187 = arith.constant 15 : i32
    %get3A_188 = arith.index_cast %get3A_187 : i32 to index
    %get3A_189 = arith.constant 0 : index
    %get3A_190 = tpu.vector_load %arg9[%get3A_188, %get3A_189] {strides = array<i32>} : memref<16x16xf32, #tpu.memory_space<vmem>>, vector<16xf32>,
    %mul3A_191 = arith.mulf %get3A_190, %broadcast_in_dim3A_50 : vector<16xf32>
    %swap3A_192 = arith.constant 15 : i32
    %swap3A_193 = arith.index_cast %swap3A_192 : i32 to index
    %swap3A_194 = arith.constant 0 : index
    %swap3A_195 = tpu.vector_load %arg9[%swap3A_193, %swap3A_194] {strides = array<i32>} : memref<16x16xf32, #tpu.memory_space<vmem>>, vector<16xf32>,
    tpu.vector_store %arg9[%swap3A_193, %swap3A_194], %mul3A_191 {strides = array<i32>} : memref<16x16xf32, #tpu.memory_space<vmem>>, vector<16xf32>,
    "tpu.region"() ({
      %run_scoped3A = tpu.sem_alloc : memref<!tpu.dma_semaphore, #tpu.memory_space<semaphore_mem>>
      %dma_start3A_1340 = arith.constant 0 : i32
      %dma_start3A_1341 = tpu.memref_slice %arg5[%mul3A_37, %dma_start3A_1340] : memref<256x16xf32, #tpu.memory_space<vmem_shared>> -> memref<16x16xf32, #tpu.memory_space<vmem_shared>>
      %dma_start3A_1342 = arith.constant 0 : i32
      %dma_start3A_1343 = tpu.memref_slice %arg5[%mul3A_37, %dma_start3A_1342] : memref<256x16xf32, #tpu.memory_space<vmem_shared>> -> memref<16x16xf32, #tpu.memory_space<vmem_shared>>
      tpu.enqueue_dma source(%arg9 : memref<16x16xf32, #tpu.memory_space<vmem>>) target(%dma_start3A_1343 : memref<16x16xf32, #tpu.memory_space<vmem_shared>>) target_semaphore(%run_scoped3A : memref<!tpu.dma_semaphore, #tpu.memory_space<semaphore_mem>>)
      %dma_wait3A_1344 = arith.constant 0 : i32
      %dma_wait3A_1345 = tpu.memref_slice %arg5[%mul3A_37, %dma_wait3A_1344] : memref<256x16xf32, #tpu.memory_space<vmem_shared>> -> memref<16x16xf32, #tpu.memory_space<vmem_shared>>
      %dma_wait3A_1346 = arith.constant 0 : i32
      %dma_wait3A_1347 = tpu.memref_slice %arg5[%mul3A_37, %dma_wait3A_1346] : memref<256x16xf32, #tpu.memory_space<vmem_shared>> -> memref<16x16xf32, #tpu.memory_space<vmem_shared>>
      tpu.wait_dma2 semaphore(%run_scoped3A : memref<!tpu.dma_semaphore, #tpu.memory_space<semaphore_mem>>) src(%arg9 : memref<16x16xf32, #tpu.memory_space<vmem>>) dst(%dma_wait3A_1347 : memref<16x16xf32, #tpu.memory_space<vmem_shared>>)
      tpu.yield
    }) : () -> ()
    %dma_wait3A_196 = tpu.memref_slice %arg3[%select_n3A, %mul3A_32] : memref<16x4096xi32, #tpu.memory_space<hbm>> -> memref<1x2048xi32, #tpu.memory_space<hbm>>
    %dma_wait3A_197 = tpu.memref_squeeze %dma_wait3A_196 : memref<1x2048xi32, #tpu.memory_space<hbm>> -> memref<2048xi32, #tpu.memory_space<hbm>>
    %dma_wait3A_198 = tpu.memref_slice %arg3[%select_n3A, %mul3A_32] : memref<16x4096xi32, #tpu.memory_space<hbm>> -> memref<1x2048xi32, #tpu.memory_space<hbm>>
    %dma_wait3A_199 = tpu.memref_squeeze %dma_wait3A_198 : memref<1x2048xi32, #tpu.memory_space<hbm>> -> memref<2048xi32, #tpu.memory_space<hbm>>
    tpu.wait_dma2 semaphore(%arg11 : memref<!tpu.dma_semaphore, #tpu.memory_space<semaphore_mem>>) src(%dma_wait3A_199 : memref<2048xi32, #tpu.memory_space<hbm>>) dst(%arg6 : memref<2048xi32, #tpu.memory_space<vmem>>)
    %iota3A = tpu.iota {dimensions = array<i32: 0>} : vector<16xi32>
    %mul3A_200 = arith.constant 8 : i32
    %mul3A_201 = vector.broadcast %mul3A_200 : i32 to vector<16xi32>
    %mul3A_202 = arith.muli %iota3A, %mul3A_201 : vector<16xi32>
    %add3A_203 = arith.constant 0 : i32
    %add3A_204 = vector.broadcast %add3A_203 : i32 to vector<16xi32>
    %add3A_205 = arith.addi %mul3A_202, %add3A_204 : vector<16xi32>
    %gather3A = tpu.vector_load_idx %arg6[%add3A_205] : memref<2048xi32, #tpu.memory_space<vmem>>[vector<16xi32>], vector<16xi32>,
    %swap3A_206 = arith.constant 0 : i32
    %swap3A_207 = arith.index_cast %swap3A_206 : i32 to index
    %swap3A_208 = arith.constant 0 : index
    %swap3A_209 = tpu.vector_load %arg7[%swap3A_207, %swap3A_208] {strides = array<i32>} : memref<8x256xi32, #tpu.memory_space<vmem>>, vector<16xi32>,
    tpu.vector_store %arg7[%swap3A_207, %swap3A_208], %gather3A {strides = array<i32>} : memref<8x256xi32, #tpu.memory_space<vmem>>, vector<16xi32>,
    %add3A_210 = arith.constant 128 : i32
    %add3A_211 = vector.broadcast %add3A_210 : i32 to vector<16xi32>
    %add3A_212 = arith.addi %mul3A_202, %add3A_211 : vector<16xi32>
    %gather3A_213 = tpu.vector_load_idx %arg6[%add3A_212] : memref<2048xi32, #tpu.memory_space<vmem>>[vector<16xi32>], vector<16xi32>,
    %swap3A_214 = arith.constant 0 : i32
    %swap3A_215 = arith.index_cast %swap3A_214 : i32 to index
    %swap3A_216 = arith.constant 16 : index
    %swap3A_217 = tpu.vector_load %arg7[%swap3A_215, %swap3A_216] {strides = array<i32>} : memref<8x256xi32, #tpu.memory_space<vmem>>, vector<16xi32>,
    tpu.vector_store %arg7[%swap3A_215, %swap3A_216], %gather3A_213 {strides = array<i32>} : memref<8x256xi32, #tpu.memory_space<vmem>>, vector<16xi32>,
    %add3A_218 = arith.constant 256 : i32
    %add3A_219 = vector.broadcast %add3A_218 : i32 to vector<16xi32>
    %add3A_220 = arith.addi %mul3A_202, %add3A_219 : vector<16xi32>
    %gather3A_221 = tpu.vector_load_idx %arg6[%add3A_220] : memref<2048xi32, #tpu.memory_space<vmem>>[vector<16xi32>], vector<16xi32>,
    %swap3A_222 = arith.constant 0 : i32
    %swap3A_223 = arith.index_cast %swap3A_222 : i32 to index
    %swap3A_224 = arith.constant 32 : index
    %swap3A_225 = tpu.vector_load %arg7[%swap3A_223, %swap3A_224] {strides = array<i32>} : memref<8x256xi32, #tpu.memory_space<vmem>>, vector<16xi32>,
    tpu.vector_store %arg7[%swap3A_223, %swap3A_224], %gather3A_221 {strides = array<i32>} : memref<8x256xi32, #tpu.memory_space<vmem>>, vector<16xi32>,
    %add3A_226 = arith.constant 384 : i32
    %add3A_227 = vector.broadcast %add3A_226 : i32 to vector<16xi32>
    %add3A_228 = arith.addi %mul3A_202, %add3A_227 : vector<16xi32>
    %gather3A_229 = tpu.vector_load_idx %arg6[%add3A_228] : memref<2048xi32, #tpu.memory_space<vmem>>[vector<16xi32>], vector<16xi32>,
    %swap3A_230 = arith.constant 0 : i32
    %swap3A_231 = arith.index_cast %swap3A_230 : i32 to index
    %swap3A_232 = arith.constant 48 : index
    %swap3A_233 = tpu.vector_load %arg7[%swap3A_231, %swap3A_232] {strides = array<i32>} : memref<8x256xi32, #tpu.memory_space<vmem>>, vector<16xi32>,
    tpu.vector_store %arg7[%swap3A_231, %swap3A_232], %gather3A_229 {strides = array<i32>} : memref<8x256xi32, #tpu.memory_space<vmem>>, vector<16xi32>,
    %add3A_234 = arith.constant 512 : i32
    %add3A_235 = vector.broadcast %add3A_234 : i32 to vector<16xi32>
    %add3A_236 = arith.addi %mul3A_202, %add3A_235 : vector<16xi32>
    %gather3A_237 = tpu.vector_load_idx %arg6[%add3A_236] : memref<2048xi32, #tpu.memory_space<vmem>>[vector<16xi32>], vector<16xi32>,
    %swap3A_238 = arith.constant 0 : i32
    %swap3A_239 = arith.index_cast %swap3A_238 : i32 to index
    %swap3A_240 = arith.constant 64 : index
    %swap3A_241 = tpu.vector_load %arg7[%swap3A_239, %swap3A_240] {strides = array<i32>} : memref<8x256xi32, #tpu.memory_space<vmem>>, vector<16xi32>,
    tpu.vector_store %arg7[%swap3A_239, %swap3A_240], %gather3A_237 {strides = array<i32>} : memref<8x256xi32, #tpu.memory_space<vmem>>, vector<16xi32>,
    %add3A_242 = arith.constant 640 : i32
    %add3A_243 = vector.broadcast %add3A_242 : i32 to vector<16xi32>
    %add3A_244 = arith.addi %mul3A_202, %add3A_243 : vector<16xi32>
    %gather3A_245 = tpu.vector_load_idx %arg6[%add3A_244] : memref<2048xi32, #tpu.memory_space<vmem>>[vector<16xi32>], vector<16xi32>,
    %swap3A_246 = arith.constant 0 : i32
    %swap3A_247 = arith.index_cast %swap3A_246 : i32 to index
    %swap3A_248 = arith.constant 80 : index
    %swap3A_249 = tpu.vector_load %arg7[%swap3A_247, %swap3A_248] {strides = array<i32>} : memref<8x256xi32, #tpu.memory_space<vmem>>, vector<16xi32>,
    tpu.vector_store %arg7[%swap3A_247, %swap3A_248], %gather3A_245 {strides = array<i32>} : memref<8x256xi32, #tpu.memory_space<vmem>>, vector<16xi32>,
    %add3A_250 = arith.constant 768 : i32
    %add3A_251 = vector.broadcast %add3A_250 : i32 to vector<16xi32>
    %add3A_252 = arith.addi %mul3A_202, %add3A_251 : vector<16xi32>
    %gather3A_253 = tpu.vector_load_idx %arg6[%add3A_252] : memref<2048xi32, #tpu.memory_space<vmem>>[vector<16xi32>], vector<16xi32>,
    %swap3A_254 = arith.constant 0 : i32
    %swap3A_255 = arith.index_cast %swap3A_254 : i32 to index
    %swap3A_256 = arith.constant 96 : index
    %swap3A_257 = tpu.vector_load %arg7[%swap3A_255, %swap3A_256] {strides = array<i32>} : memref<8x256xi32, #tpu.memory_space<vmem>>, vector<16xi32>,
    tpu.vector_store %arg7[%swap3A_255, %swap3A_256], %gather3A_253 {strides = array<i32>} : memref<8x256xi32, #tpu.memory_space<vmem>>, vector<16xi32>,
    %add3A_258 = arith.constant 896 : i32
    %add3A_259 = vector.broadcast %add3A_258 : i32 to vector<16xi32>
    %add3A_260 = arith.addi %mul3A_202, %add3A_259 : vector<16xi32>
    %gather3A_261 = tpu.vector_load_idx %arg6[%add3A_260] : memref<2048xi32, #tpu.memory_space<vmem>>[vector<16xi32>], vector<16xi32>,
    %swap3A_262 = arith.constant 0 : i32
    %swap3A_263 = arith.index_cast %swap3A_262 : i32 to index
    %swap3A_264 = arith.constant 112 : index
    %swap3A_265 = tpu.vector_load %arg7[%swap3A_263, %swap3A_264] {strides = array<i32>} : memref<8x256xi32, #tpu.memory_space<vmem>>, vector<16xi32>,
    tpu.vector_store %arg7[%swap3A_263, %swap3A_264], %gather3A_261 {strides = array<i32>} : memref<8x256xi32, #tpu.memory_space<vmem>>, vector<16xi32>,
    %add3A_266 = arith.constant 1024 : i32
    %add3A_267 = vector.broadcast %add3A_266 : i32 to vector<16xi32>
    %add3A_268 = arith.addi %mul3A_202, %add3A_267 : vector<16xi32>
    %gather3A_269 = tpu.vector_load_idx %arg6[%add3A_268] : memref<2048xi32, #tpu.memory_space<vmem>>[vector<16xi32>], vector<16xi32>,
    %swap3A_270 = arith.constant 0 : i32
    %swap3A_271 = arith.index_cast %swap3A_270 : i32 to index
    %swap3A_272 = arith.constant 128 : index
    %swap3A_273 = tpu.vector_load %arg7[%swap3A_271, %swap3A_272] {strides = array<i32>} : memref<8x256xi32, #tpu.memory_space<vmem>>, vector<16xi32>,
    tpu.vector_store %arg7[%swap3A_271, %swap3A_272], %gather3A_269 {strides = array<i32>} : memref<8x256xi32, #tpu.memory_space<vmem>>, vector<16xi32>,
    %add3A_274 = arith.constant 1152 : i32
    %add3A_275 = vector.broadcast %add3A_274 : i32 to vector<16xi32>
    %add3A_276 = arith.addi %mul3A_202, %add3A_275 : vector<16xi32>
    %gather3A_277 = tpu.vector_load_idx %arg6[%add3A_276] : memref<2048xi32, #tpu.memory_space<vmem>>[vector<16xi32>], vector<16xi32>,
    %swap3A_278 = arith.constant 0 : i32
    %swap3A_279 = arith.index_cast %swap3A_278 : i32 to index
    %swap3A_280 = arith.constant 144 : index
    %swap3A_281 = tpu.vector_load %arg7[%swap3A_279, %swap3A_280] {strides = array<i32>} : memref<8x256xi32, #tpu.memory_space<vmem>>, vector<16xi32>,
    tpu.vector_store %arg7[%swap3A_279, %swap3A_280], %gather3A_277 {strides = array<i32>} : memref<8x256xi32, #tpu.memory_space<vmem>>, vector<16xi32>,
    %add3A_282 = arith.constant 1280 : i32
    %add3A_283 = vector.broadcast %add3A_282 : i32 to vector<16xi32>
    %add3A_284 = arith.addi %mul3A_202, %add3A_283 : vector<16xi32>
    %gather3A_285 = tpu.vector_load_idx %arg6[%add3A_284] : memref<2048xi32, #tpu.memory_space<vmem>>[vector<16xi32>], vector<16xi32>,
    %swap3A_286 = arith.constant 0 : i32
    %swap3A_287 = arith.index_cast %swap3A_286 : i32 to index
    %swap3A_288 = arith.constant 160 : index
    %swap3A_289 = tpu.vector_load %arg7[%swap3A_287, %swap3A_288] {strides = array<i32>} : memref<8x256xi32, #tpu.memory_space<vmem>>, vector<16xi32>,
    tpu.vector_store %arg7[%swap3A_287, %swap3A_288], %gather3A_285 {strides = array<i32>} : memref<8x256xi32, #tpu.memory_space<vmem>>, vector<16xi32>,
    %add3A_290 = arith.constant 1408 : i32
    %add3A_291 = vector.broadcast %add3A_290 : i32 to vector<16xi32>
    %add3A_292 = arith.addi %mul3A_202, %add3A_291 : vector<16xi32>
    %gather3A_293 = tpu.vector_load_idx %arg6[%add3A_292] : memref<2048xi32, #tpu.memory_space<vmem>>[vector<16xi32>], vector<16xi32>,
    %swap3A_294 = arith.constant 0 : i32
    %swap3A_295 = arith.index_cast %swap3A_294 : i32 to index
    %swap3A_296 = arith.constant 176 : index
    %swap3A_297 = tpu.vector_load %arg7[%swap3A_295, %swap3A_296] {strides = array<i32>} : memref<8x256xi32, #tpu.memory_space<vmem>>, vector<16xi32>,
    tpu.vector_store %arg7[%swap3A_295, %swap3A_296], %gather3A_293 {strides = array<i32>} : memref<8x256xi32, #tpu.memory_space<vmem>>, vector<16xi32>,
    %add3A_298 = arith.constant 1536 : i32
    %add3A_299 = vector.broadcast %add3A_298 : i32 to vector<16xi32>
    %add3A_300 = arith.addi %mul3A_202, %add3A_299 : vector<16xi32>
    %gather3A_301 = tpu.vector_load_idx %arg6[%add3A_300] : memref<2048xi32, #tpu.memory_space<vmem>>[vector<16xi32>], vector<16xi32>,
    %swap3A_302 = arith.constant 0 : i32
    %swap3A_303 = arith.index_cast %swap3A_302 : i32 to index
    %swap3A_304 = arith.constant 192 : index
    %swap3A_305 = tpu.vector_load %arg7[%swap3A_303, %swap3A_304] {strides = array<i32>} : memref<8x256xi32, #tpu.memory_space<vmem>>, vector<16xi32>,
    tpu.vector_store %arg7[%swap3A_303, %swap3A_304], %gather3A_301 {strides = array<i32>} : memref<8x256xi32, #tpu.memory_space<vmem>>, vector<16xi32>,
    %add3A_306 = arith.constant 1664 : i32
    %add3A_307 = vector.broadcast %add3A_306 : i32 to vector<16xi32>
    %add3A_308 = arith.addi %mul3A_202, %add3A_307 : vector<16xi32>
    %gather3A_309 = tpu.vector_load_idx %arg6[%add3A_308] : memref<2048xi32, #tpu.memory_space<vmem>>[vector<16xi32>], vector<16xi32>,
    %swap3A_310 = arith.constant 0 : i32
    %swap3A_311 = arith.index_cast %swap3A_310 : i32 to index
    %swap3A_312 = arith.constant 208 : index
    %swap3A_313 = tpu.vector_load %arg7[%swap3A_311, %swap3A_312] {strides = array<i32>} : memref<8x256xi32, #tpu.memory_space<vmem>>, vector<16xi32>,
    tpu.vector_store %arg7[%swap3A_311, %swap3A_312], %gather3A_309 {strides = array<i32>} : memref<8x256xi32, #tpu.memory_space<vmem>>, vector<16xi32>,
    %add3A_314 = arith.constant 1792 : i32
    %add3A_315 = vector.broadcast %add3A_314 : i32 to vector<16xi32>
    %add3A_316 = arith.addi %mul3A_202, %add3A_315 : vector<16xi32>
    %gather3A_317 = tpu.vector_load_idx %arg6[%add3A_316] : memref<2048xi32, #tpu.memory_space<vmem>>[vector<16xi32>], vector<16xi32>,
    %swap3A_318 = arith.constant 0 : i32
    %swap3A_319 = arith.index_cast %swap3A_318 : i32 to index
    %swap3A_320 = arith.constant 224 : index
    %swap3A_321 = tpu.vector_load %arg7[%swap3A_319, %swap3A_320] {strides = array<i32>} : memref<8x256xi32, #tpu.memory_space<vmem>>, vector<16xi32>,
    tpu.vector_store %arg7[%swap3A_319, %swap3A_320], %gather3A_317 {strides = array<i32>} : memref<8x256xi32, #tpu.memory_space<vmem>>, vector<16xi32>,
    %add3A_322 = arith.constant 1920 : i32
    %add3A_323 = vector.broadcast %add3A_322 : i32 to vector<16xi32>
    %add3A_324 = arith.addi %mul3A_202, %add3A_323 : vector<16xi32>
    %gather3A_325 = tpu.vector_load_idx %arg6[%add3A_324] : memref<2048xi32, #tpu.memory_space<vmem>>[vector<16xi32>], vector<16xi32>,
    %swap3A_326 = arith.constant 0 : i32
    %swap3A_327 = arith.index_cast %swap3A_326 : i32 to index
    %swap3A_328 = arith.constant 240 : index
    %swap3A_329 = tpu.vector_load %arg7[%swap3A_327, %swap3A_328] {strides = array<i32>} : memref<8x256xi32, #tpu.memory_space<vmem>>, vector<16xi32>,
    tpu.vector_store %arg7[%swap3A_327, %swap3A_328], %gather3A_325 {strides = array<i32>} : memref<8x256xi32, #tpu.memory_space<vmem>>, vector<16xi32>,
    %add3A_330 = arith.constant 1 : i32
    %add3A_331 = vector.broadcast %add3A_330 : i32 to vector<16xi32>
    %add3A_332 = arith.addi %mul3A_202, %add3A_331 : vector<16xi32>
    %gather3A_333 = tpu.vector_load_idx %arg6[%add3A_332] : memref<2048xi32, #tpu.memory_space<vmem>>[vector<16xi32>], vector<16xi32>,
    %swap3A_334 = arith.constant 1 : i32
    %swap3A_335 = arith.index_cast %swap3A_334 : i32 to index
    %swap3A_336 = arith.constant 0 : index
    %swap3A_337 = tpu.vector_load %arg7[%swap3A_335, %swap3A_336] {strides = array<i32>} : memref<8x256xi32, #tpu.memory_space<vmem>>, vector<16xi32>,
    tpu.vector_store %arg7[%swap3A_335, %swap3A_336], %gather3A_333 {strides = array<i32>} : memref<8x256xi32, #tpu.memory_space<vmem>>, vector<16xi32>,
    %add3A_338 = arith.constant 129 : i32
    %add3A_339 = vector.broadcast %add3A_338 : i32 to vector<16xi32>
    %add3A_340 = arith.addi %mul3A_202, %add3A_339 : vector<16xi32>
    %gather3A_341 = tpu.vector_load_idx %arg6[%add3A_340] : memref<2048xi32, #tpu.memory_space<vmem>>[vector<16xi32>], vector<16xi32>,
    %swap3A_342 = arith.constant 1 : i32
    %swap3A_343 = arith.index_cast %swap3A_342 : i32 to index
    %swap3A_344 = arith.constant 16 : index
    %swap3A_345 = tpu.vector_load %arg7[%swap3A_343, %swap3A_344] {strides = array<i32>} : memref<8x256xi32, #tpu.memory_space<vmem>>, vector<16xi32>,
    tpu.vector_store %arg7[%swap3A_343, %swap3A_344], %gather3A_341 {strides = array<i32>} : memref<8x256xi32, #tpu.memory_space<vmem>>, vector<16xi32>,
    %add3A_346 = arith.constant 257 : i32
    %add3A_347 = vector.broadcast %add3A_346 : i32 to vector<16xi32>
    %add3A_348 = arith.addi %mul3A_202, %add3A_347 : vector<16xi32>
    %gather3A_349 = tpu.vector_load_idx %arg6[%add3A_348] : memref<2048xi32, #tpu.memory_space<vmem>>[vector<16xi32>], vector<16xi32>,
    %swap3A_350 = arith.constant 1 : i32
    %swap3A_351 = arith.index_cast %swap3A_350 : i32 to index
    %swap3A_352 = arith.constant 32 : index
    %swap3A_353 = tpu.vector_load %arg7[%swap3A_351, %swap3A_352] {strides = array<i32>} : memref<8x256xi32, #tpu.memory_space<vmem>>, vector<16xi32>,
    tpu.vector_store %arg7[%swap3A_351, %swap3A_352], %gather3A_349 {strides = array<i32>} : memref<8x256xi32, #tpu.memory_space<vmem>>, vector<16xi32>,
    %add3A_354 = arith.constant 385 : i32
    %add3A_355 = vector.broadcast %add3A_354 : i32 to vector<16xi32>
    %add3A_356 = arith.addi %mul3A_202, %add3A_355 : vector<16xi32>
    %gather3A_357 = tpu.vector_load_idx %arg6[%add3A_356] : memref<2048xi32, #tpu.memory_space<vmem>>[vector<16xi32>], vector<16xi32>,
    %swap3A_358 = arith.constant 1 : i32
    %swap3A_359 = arith.index_cast %swap3A_358 : i32 to index
    %swap3A_360 = arith.constant 48 : index
    %swap3A_361 = tpu.vector_load %arg7[%swap3A_359, %swap3A_360] {strides = array<i32>} : memref<8x256xi32, #tpu.memory_space<vmem>>, vector<16xi32>,
    tpu.vector_store %arg7[%swap3A_359, %swap3A_360], %gather3A_357 {strides = array<i32>} : memref<8x256xi32, #tpu.memory_space<vmem>>, vector<16xi32>,
    %add3A_362 = arith.constant 513 : i32
    %add3A_363 = vector.broadcast %add3A_362 : i32 to vector<16xi32>
    %add3A_364 = arith.addi %mul3A_202, %add3A_363 : vector<16xi32>
    %gather3A_365 = tpu.vector_load_idx %arg6[%add3A_364] : memref<2048xi32, #tpu.memory_space<vmem>>[vector<16xi32>], vector<16xi32>,
    %swap3A_366 = arith.constant 1 : i32
    %swap3A_367 = arith.index_cast %swap3A_366 : i32 to index
    %swap3A_368 = arith.constant 64 : index
    %swap3A_369 = tpu.vector_load %arg7[%swap3A_367, %swap3A_368] {strides = array<i32>} : memref<8x256xi32, #tpu.memory_space<vmem>>, vector<16xi32>,
    tpu.vector_store %arg7[%swap3A_367, %swap3A_368], %gather3A_365 {strides = array<i32>} : memref<8x256xi32, #tpu.memory_space<vmem>>, vector<16xi32>,
    %add3A_370 = arith.constant 641 : i32
    %add3A_371 = vector.broadcast %add3A_370 : i32 to vector<16xi32>
    %add3A_372 = arith.addi %mul3A_202, %add3A_371 : vector<16xi32>
    %gather3A_373 = tpu.vector_load_idx %arg6[%add3A_372] : memref<2048xi32, #tpu.memory_space<vmem>>[vector<16xi32>], vector<16xi32>,
    %swap3A_374 = arith.constant 1 : i32
    %swap3A_375 = arith.index_cast %swap3A_374 : i32 to index
    %swap3A_376 = arith.constant 80 : index
    %swap3A_377 = tpu.vector_load %arg7[%swap3A_375, %swap3A_376] {strides = array<i32>} : memref<8x256xi32, #tpu.memory_space<vmem>>, vector<16xi32>,
    tpu.vector_store %arg7[%swap3A_375, %swap3A_376], %gather3A_373 {strides = array<i32>} : memref<8x256xi32, #tpu.memory_space<vmem>>, vector<16xi32>,
    %add3A_378 = arith.constant 769 : i32
    %add3A_379 = vector.broadcast %add3A_378 : i32 to vector<16xi32>
    %add3A_380 = arith.addi %mul3A_202, %add3A_379 : vector<16xi32>
    %gather3A_381 = tpu.vector_load_idx %arg6[%add3A_380] : memref<2048xi32, #tpu.memory_space<vmem>>[vector<16xi32>], vector<16xi32>,
    %swap3A_382 = arith.constant 1 : i32
    %swap3A_383 = arith.index_cast %swap3A_382 : i32 to index
    %swap3A_384 = arith.constant 96 : index
    %swap3A_385 = tpu.vector_load %arg7[%swap3A_383, %swap3A_384] {strides = array<i32>} : memref<8x256xi32, #tpu.memory_space<vmem>>, vector<16xi32>,
    tpu.vector_store %arg7[%swap3A_383, %swap3A_384], %gather3A_381 {strides = array<i32>} : memref<8x256xi32, #tpu.memory_space<vmem>>, vector<16xi32>,
    %add3A_386 = arith.constant 897 : i32
    %add3A_387 = vector.broadcast %add3A_386 : i32 to vector<16xi32>
    %add3A_388 = arith.addi %mul3A_202, %add3A_387 : vector<16xi32>
    %gather3A_389 = tpu.vector_load_idx %arg6[%add3A_388] : memref<2048xi32, #tpu.memory_space<vmem>>[vector<16xi32>], vector<16xi32>,
    %swap3A_390 = arith.constant 1 : i32
    %swap3A_391 = arith.index_cast %swap3A_390 : i32 to index
    %swap3A_392 = arith.constant 112 : index
    %swap3A_393 = tpu.vector_load %arg7[%swap3A_391, %swap3A_392] {strides = array<i32>} : memref<8x256xi32, #tpu.memory_space<vmem>>, vector<16xi32>,
    tpu.vector_store %arg7[%swap3A_391, %swap3A_392], %gather3A_389 {strides = array<i32>} : memref<8x256xi32, #tpu.memory_space<vmem>>, vector<16xi32>,
    %add3A_394 = arith.constant 1025 : i32
    %add3A_395 = vector.broadcast %add3A_394 : i32 to vector<16xi32>
    %add3A_396 = arith.addi %mul3A_202, %add3A_395 : vector<16xi32>
    %gather3A_397 = tpu.vector_load_idx %arg6[%add3A_396] : memref<2048xi32, #tpu.memory_space<vmem>>[vector<16xi32>], vector<16xi32>,
    %swap3A_398 = arith.constant 1 : i32
    %swap3A_399 = arith.index_cast %swap3A_398 : i32 to index
    %swap3A_400 = arith.constant 128 : index
    %swap3A_401 = tpu.vector_load %arg7[%swap3A_399, %swap3A_400] {strides = array<i32>} : memref<8x256xi32, #tpu.memory_space<vmem>>, vector<16xi32>,
    tpu.vector_store %arg7[%swap3A_399, %swap3A_400], %gather3A_397 {strides = array<i32>} : memref<8x256xi32, #tpu.memory_space<vmem>>, vector<16xi32>,
    %add3A_402 = arith.constant 1153 : i32
    %add3A_403 = vector.broadcast %add3A_402 : i32 to vector<16xi32>
    %add3A_404 = arith.addi %mul3A_202, %add3A_403 : vector<16xi32>
    %gather3A_405 = tpu.vector_load_idx %arg6[%add3A_404] : memref<2048xi32, #tpu.memory_space<vmem>>[vector<16xi32>], vector<16xi32>,
    %swap3A_406 = arith.constant 1 : i32
    %swap3A_407 = arith.index_cast %swap3A_406 : i32 to index
    %swap3A_408 = arith.constant 144 : index
    %swap3A_409 = tpu.vector_load %arg7[%swap3A_407, %swap3A_408] {strides = array<i32>} : memref<8x256xi32, #tpu.memory_space<vmem>>, vector<16xi32>,
    tpu.vector_store %arg7[%swap3A_407, %swap3A_408], %gather3A_405 {strides = array<i32>} : memref<8x256xi32, #tpu.memory_space<vmem>>, vector<16xi32>,
    %add3A_410 = arith.constant 1281 : i32
    %add3A_411 = vector.broadcast %add3A_410 : i32 to vector<16xi32>
    %add3A_412 = arith.addi %mul3A_202, %add3A_411 : vector<16xi32>
    %gather3A_413 = tpu.vector_load_idx %arg6[%add3A_412] : memref<2048xi32, #tpu.memory_space<vmem>>[vector<16xi32>], vector<16xi32>,
    %swap3A_414 = arith.constant 1 : i32
    %swap3A_415 = arith.index_cast %swap3A_414 : i32 to index
    %swap3A_416 = arith.constant 160 : index
    %swap3A_417 = tpu.vector_load %arg7[%swap3A_415, %swap3A_416] {strides = array<i32>} : memref<8x256xi32, #tpu.memory_space<vmem>>, vector<16xi32>,
    tpu.vector_store %arg7[%swap3A_415, %swap3A_416], %gather3A_413 {strides = array<i32>} : memref<8x256xi32, #tpu.memory_space<vmem>>, vector<16xi32>,
    %add3A_418 = arith.constant 1409 : i32
    %add3A_419 = vector.broadcast %add3A_418 : i32 to vector<16xi32>
    %add3A_420 = arith.addi %mul3A_202, %add3A_419 : vector<16xi32>
    %gather3A_421 = tpu.vector_load_idx %arg6[%add3A_420] : memref<2048xi32, #tpu.memory_space<vmem>>[vector<16xi32>], vector<16xi32>,
    %swap3A_422 = arith.constant 1 : i32
    %swap3A_423 = arith.index_cast %swap3A_422 : i32 to index
    %swap3A_424 = arith.constant 176 : index
    %swap3A_425 = tpu.vector_load %arg7[%swap3A_423, %swap3A_424] {strides = array<i32>} : memref<8x256xi32, #tpu.memory_space<vmem>>, vector<16xi32>,
    tpu.vector_store %arg7[%swap3A_423, %swap3A_424], %gather3A_421 {strides = array<i32>} : memref<8x256xi32, #tpu.memory_space<vmem>>, vector<16xi32>,
    %add3A_426 = arith.constant 1537 : i32
    %add3A_427 = vector.broadcast %add3A_426 : i32 to vector<16xi32>
    %add3A_428 = arith.addi %mul3A_202, %add3A_427 : vector<16xi32>
    %gather3A_429 = tpu.vector_load_idx %arg6[%add3A_428] : memref<2048xi32, #tpu.memory_space<vmem>>[vector<16xi32>], vector<16xi32>,
    %swap3A_430 = arith.constant 1 : i32
    %swap3A_431 = arith.index_cast %swap3A_430 : i32 to index
    %swap3A_432 = arith.constant 192 : index
    %swap3A_433 = tpu.vector_load %arg7[%swap3A_431, %swap3A_432] {strides = array<i32>} : memref<8x256xi32, #tpu.memory_space<vmem>>, vector<16xi32>,
    tpu.vector_store %arg7[%swap3A_431, %swap3A_432], %gather3A_429 {strides = array<i32>} : memref<8x256xi32, #tpu.memory_space<vmem>>, vector<16xi32>,
    %add3A_434 = arith.constant 1665 : i32
    %add3A_435 = vector.broadcast %add3A_434 : i32 to vector<16xi32>
    %add3A_436 = arith.addi %mul3A_202, %add3A_435 : vector<16xi32>
    %gather3A_437 = tpu.vector_load_idx %arg6[%add3A_436] : memref<2048xi32, #tpu.memory_space<vmem>>[vector<16xi32>], vector<16xi32>,
    %swap3A_438 = arith.constant 1 : i32
    %swap3A_439 = arith.index_cast %swap3A_438 : i32 to index
    %swap3A_440 = arith.constant 208 : index
    %swap3A_441 = tpu.vector_load %arg7[%swap3A_439, %swap3A_440] {strides = array<i32>} : memref<8x256xi32, #tpu.memory_space<vmem>>, vector<16xi32>,
    tpu.vector_store %arg7[%swap3A_439, %swap3A_440], %gather3A_437 {strides = array<i32>} : memref<8x256xi32, #tpu.memory_space<vmem>>, vector<16xi32>,
    %add3A_442 = arith.constant 1793 : i32
    %add3A_443 = vector.broadcast %add3A_442 : i32 to vector<16xi32>
    %add3A_444 = arith.addi %mul3A_202, %add3A_443 : vector<16xi32>
    %gather3A_445 = tpu.vector_load_idx %arg6[%add3A_444] : memref<2048xi32, #tpu.memory_space<vmem>>[vector<16xi32>], vector<16xi32>,
    %swap3A_446 = arith.constant 1 : i32
    %swap3A_447 = arith.index_cast %swap3A_446 : i32 to index
    %swap3A_448 = arith.constant 224 : index
    %swap3A_449 = tpu.vector_load %arg7[%swap3A_447, %swap3A_448] {strides = array<i32>} : memref<8x256xi32, #tpu.memory_space<vmem>>, vector<16xi32>,
    tpu.vector_store %arg7[%swap3A_447, %swap3A_448], %gather3A_445 {strides = array<i32>} : memref<8x256xi32, #tpu.memory_space<vmem>>, vector<16xi32>,
    %add3A_450 = arith.constant 1921 : i32
    %add3A_451 = vector.broadcast %add3A_450 : i32 to vector<16xi32>
    %add3A_452 = arith.addi %mul3A_202, %add3A_451 : vector<16xi32>
    %gather3A_453 = tpu.vector_load_idx %arg6[%add3A_452] : memref<2048xi32, #tpu.memory_space<vmem>>[vector<16xi32>], vector<16xi32>,
    %swap3A_454 = arith.constant 1 : i32
    %swap3A_455 = arith.index_cast %swap3A_454 : i32 to index
    %swap3A_456 = arith.constant 240 : index
    %swap3A_457 = tpu.vector_load %arg7[%swap3A_455, %swap3A_456] {strides = array<i32>} : memref<8x256xi32, #tpu.memory_space<vmem>>, vector<16xi32>,
    tpu.vector_store %arg7[%swap3A_455, %swap3A_456], %gather3A_453 {strides = array<i32>} : memref<8x256xi32, #tpu.memory_space<vmem>>, vector<16xi32>,
    %add3A_458 = arith.constant 2 : i32
    %add3A_459 = vector.broadcast %add3A_458 : i32 to vector<16xi32>
    %add3A_460 = arith.addi %mul3A_202, %add3A_459 : vector<16xi32>
    %gather3A_461 = tpu.vector_load_idx %arg6[%add3A_460] : memref<2048xi32, #tpu.memory_space<vmem>>[vector<16xi32>], vector<16xi32>,
    %swap3A_462 = arith.constant 2 : i32
    %swap3A_463 = arith.index_cast %swap3A_462 : i32 to index
    %swap3A_464 = arith.constant 0 : index
    %swap3A_465 = tpu.vector_load %arg7[%swap3A_463, %swap3A_464] {strides = array<i32>} : memref<8x256xi32, #tpu.memory_space<vmem>>, vector<16xi32>,
    tpu.vector_store %arg7[%swap3A_463, %swap3A_464], %gather3A_461 {strides = array<i32>} : memref<8x256xi32, #tpu.memory_space<vmem>>, vector<16xi32>,
    %add3A_466 = arith.constant 130 : i32
    %add3A_467 = vector.broadcast %add3A_466 : i32 to vector<16xi32>
    %add3A_468 = arith.addi %mul3A_202, %add3A_467 : vector<16xi32>
    %gather3A_469 = tpu.vector_load_idx %arg6[%add3A_468] : memref<2048xi32, #tpu.memory_space<vmem>>[vector<16xi32>], vector<16xi32>,
    %swap3A_470 = arith.constant 2 : i32
    %swap3A_471 = arith.index_cast %swap3A_470 : i32 to index
    %swap3A_472 = arith.constant 16 : index
    %swap3A_473 = tpu.vector_load %arg7[%swap3A_471, %swap3A_472] {strides = array<i32>} : memref<8x256xi32, #tpu.memory_space<vmem>>, vector<16xi32>,
    tpu.vector_store %arg7[%swap3A_471, %swap3A_472], %gather3A_469 {strides = array<i32>} : memref<8x256xi32, #tpu.memory_space<vmem>>, vector<16xi32>,
    %add3A_474 = arith.constant 258 : i32
    %add3A_475 = vector.broadcast %add3A_474 : i32 to vector<16xi32>
    %add3A_476 = arith.addi %mul3A_202, %add3A_475 : vector<16xi32>
    %gather3A_477 = tpu.vector_load_idx %arg6[%add3A_476] : memref<2048xi32, #tpu.memory_space<vmem>>[vector<16xi32>], vector<16xi32>,
    %swap3A_478 = arith.constant 2 : i32
    %swap3A_479 = arith.index_cast %swap3A_478 : i32 to index
    %swap3A_480 = arith.constant 32 : index
    %swap3A_481 = tpu.vector_load %arg7[%swap3A_479, %swap3A_480] {strides = array<i32>} : memref<8x256xi32, #tpu.memory_space<vmem>>, vector<16xi32>,
    tpu.vector_store %arg7[%swap3A_479, %swap3A_480], %gather3A_477 {strides = array<i32>} : memref<8x256xi32, #tpu.memory_space<vmem>>, vector<16xi32>,
    %add3A_482 = arith.constant 386 : i32
    %add3A_483 = vector.broadcast %add3A_482 : i32 to vector<16xi32>
    %add3A_484 = arith.addi %mul3A_202, %add3A_483 : vector<16xi32>
    %gather3A_485 = tpu.vector_load_idx %arg6[%add3A_484] : memref<2048xi32, #tpu.memory_space<vmem>>[vector<16xi32>], vector<16xi32>,
    %swap3A_486 = arith.constant 2 : i32
    %swap3A_487 = arith.index_cast %swap3A_486 : i32 to index
    %swap3A_488 = arith.constant 48 : index
    %swap3A_489 = tpu.vector_load %arg7[%swap3A_487, %swap3A_488] {strides = array<i32>} : memref<8x256xi32, #tpu.memory_space<vmem>>, vector<16xi32>,
    tpu.vector_store %arg7[%swap3A_487, %swap3A_488], %gather3A_485 {strides = array<i32>} : memref<8x256xi32, #tpu.memory_space<vmem>>, vector<16xi32>,
    %add3A_490 = arith.constant 514 : i32
    %add3A_491 = vector.broadcast %add3A_490 : i32 to vector<16xi32>
    %add3A_492 = arith.addi %mul3A_202, %add3A_491 : vector<16xi32>
    %gather3A_493 = tpu.vector_load_idx %arg6[%add3A_492] : memref<2048xi32, #tpu.memory_space<vmem>>[vector<16xi32>], vector<16xi32>,
    %swap3A_494 = arith.constant 2 : i32
    %swap3A_495 = arith.index_cast %swap3A_494 : i32 to index
    %swap3A_496 = arith.constant 64 : index
    %swap3A_497 = tpu.vector_load %arg7[%swap3A_495, %swap3A_496] {strides = array<i32>} : memref<8x256xi32, #tpu.memory_space<vmem>>, vector<16xi32>,
    tpu.vector_store %arg7[%swap3A_495, %swap3A_496], %gather3A_493 {strides = array<i32>} : memref<8x256xi32, #tpu.memory_space<vmem>>, vector<16xi32>,
    %add3A_498 = arith.constant 642 : i32
    %add3A_499 = vector.broadcast %add3A_498 : i32 to vector<16xi32>
    %add3A_500 = arith.addi %mul3A_202, %add3A_499 : vector<16xi32>
    %gather3A_501 = tpu.vector_load_idx %arg6[%add3A_500] : memref<2048xi32, #tpu.memory_space<vmem>>[vector<16xi32>], vector<16xi32>,
    %swap3A_502 = arith.constant 2 : i32
    %swap3A_503 = arith.index_cast %swap3A_502 : i32 to index
    %swap3A_504 = arith.constant 80 : index
    %swap3A_505 = tpu.vector_load %arg7[%swap3A_503, %swap3A_504] {strides = array<i32>} : memref<8x256xi32, #tpu.memory_space<vmem>>, vector<16xi32>,
    tpu.vector_store %arg7[%swap3A_503, %swap3A_504], %gather3A_501 {strides = array<i32>} : memref<8x256xi32, #tpu.memory_space<vmem>>, vector<16xi32>,
    %add3A_506 = arith.constant 770 : i32
    %add3A_507 = vector.broadcast %add3A_506 : i32 to vector<16xi32>
    %add3A_508 = arith.addi %mul3A_202, %add3A_507 : vector<16xi32>
    %gather3A_509 = tpu.vector_load_idx %arg6[%add3A_508] : memref<2048xi32, #tpu.memory_space<vmem>>[vector<16xi32>], vector<16xi32>,
    %swap3A_510 = arith.constant 2 : i32
    %swap3A_511 = arith.index_cast %swap3A_510 : i32 to index
    %swap3A_512 = arith.constant 96 : index
    %swap3A_513 = tpu.vector_load %arg7[%swap3A_511, %swap3A_512] {strides = array<i32>} : memref<8x256xi32, #tpu.memory_space<vmem>>, vector<16xi32>,
    tpu.vector_store %arg7[%swap3A_511, %swap3A_512], %gather3A_509 {strides = array<i32>} : memref<8x256xi32, #tpu.memory_space<vmem>>, vector<16xi32>,
    %add3A_514 = arith.constant 898 : i32
    %add3A_515 = vector.broadcast %add3A_514 : i32 to vector<16xi32>
    %add3A_516 = arith.addi %mul3A_202, %add3A_515 : vector<16xi32>
    %gather3A_517 = tpu.vector_load_idx %arg6[%add3A_516] : memref<2048xi32, #tpu.memory_space<vmem>>[vector<16xi32>], vector<16xi32>,
    %swap3A_518 = arith.constant 2 : i32
    %swap3A_519 = arith.index_cast %swap3A_518 : i32 to index
    %swap3A_520 = arith.constant 112 : index
    %swap3A_521 = tpu.vector_load %arg7[%swap3A_519, %swap3A_520] {strides = array<i32>} : memref<8x256xi32, #tpu.memory_space<vmem>>, vector<16xi32>,
    tpu.vector_store %arg7[%swap3A_519, %swap3A_520], %gather3A_517 {strides = array<i32>} : memref<8x256xi32, #tpu.memory_space<vmem>>, vector<16xi32>,
    %add3A_522 = arith.constant 1026 : i32
    %add3A_523 = vector.broadcast %add3A_522 : i32 to vector<16xi32>
    %add3A_524 = arith.addi %mul3A_202, %add3A_523 : vector<16xi32>
    %gather3A_525 = tpu.vector_load_idx %arg6[%add3A_524] : memref<2048xi32, #tpu.memory_space<vmem>>[vector<16xi32>], vector<16xi32>,
    %swap3A_526 = arith.constant 2 : i32
    %swap3A_527 = arith.index_cast %swap3A_526 : i32 to index
    %swap3A_528 = arith.constant 128 : index
    %swap3A_529 = tpu.vector_load %arg7[%swap3A_527, %swap3A_528] {strides = array<i32>} : memref<8x256xi32, #tpu.memory_space<vmem>>, vector<16xi32>,
    tpu.vector_store %arg7[%swap3A_527, %swap3A_528], %gather3A_525 {strides = array<i32>} : memref<8x256xi32, #tpu.memory_space<vmem>>, vector<16xi32>,
    %add3A_530 = arith.constant 1154 : i32
    %add3A_531 = vector.broadcast %add3A_530 : i32 to vector<16xi32>
    %add3A_532 = arith.addi %mul3A_202, %add3A_531 : vector<16xi32>
    %gather3A_533 = tpu.vector_load_idx %arg6[%add3A_532] : memref<2048xi32, #tpu.memory_space<vmem>>[vector<16xi32>], vector<16xi32>,
    %swap3A_534 = arith.constant 2 : i32
    %swap3A_535 = arith.index_cast %swap3A_534 : i32 to index
    %swap3A_536 = arith.constant 144 : index
    %swap3A_537 = tpu.vector_load %arg7[%swap3A_535, %swap3A_536] {strides = array<i32>} : memref<8x256xi32, #tpu.memory_space<vmem>>, vector<16xi32>,
    tpu.vector_store %arg7[%swap3A_535, %swap3A_536], %gather3A_533 {strides = array<i32>} : memref<8x256xi32, #tpu.memory_space<vmem>>, vector<16xi32>,
    %add3A_538 = arith.constant 1282 : i32
    %add3A_539 = vector.broadcast %add3A_538 : i32 to vector<16xi32>
    %add3A_540 = arith.addi %mul3A_202, %add3A_539 : vector<16xi32>
    %gather3A_541 = tpu.vector_load_idx %arg6[%add3A_540] : memref<2048xi32, #tpu.memory_space<vmem>>[vector<16xi32>], vector<16xi32>,
    %swap3A_542 = arith.constant 2 : i32
    %swap3A_543 = arith.index_cast %swap3A_542 : i32 to index
    %swap3A_544 = arith.constant 160 : index
    %swap3A_545 = tpu.vector_load %arg7[%swap3A_543, %swap3A_544] {strides = array<i32>} : memref<8x256xi32, #tpu.memory_space<vmem>>, vector<16xi32>,
    tpu.vector_store %arg7[%swap3A_543, %swap3A_544], %gather3A_541 {strides = array<i32>} : memref<8x256xi32, #tpu.memory_space<vmem>>, vector<16xi32>,
    %add3A_546 = arith.constant 1410 : i32
    %add3A_547 = vector.broadcast %add3A_546 : i32 to vector<16xi32>
    %add3A_548 = arith.addi %mul3A_202, %add3A_547 : vector<16xi32>
    %gather3A_549 = tpu.vector_load_idx %arg6[%add3A_548] : memref<2048xi32, #tpu.memory_space<vmem>>[vector<16xi32>], vector<16xi32>,
    %swap3A_550 = arith.constant 2 : i32
    %swap3A_551 = arith.index_cast %swap3A_550 : i32 to index
    %swap3A_552 = arith.constant 176 : index
    %swap3A_553 = tpu.vector_load %arg7[%swap3A_551, %swap3A_552] {strides = array<i32>} : memref<8x256xi32, #tpu.memory_space<vmem>>, vector<16xi32>,
    tpu.vector_store %arg7[%swap3A_551, %swap3A_552], %gather3A_549 {strides = array<i32>} : memref<8x256xi32, #tpu.memory_space<vmem>>, vector<16xi32>,
    %add3A_554 = arith.constant 1538 : i32
    %add3A_555 = vector.broadcast %add3A_554 : i32 to vector<16xi32>
    %add3A_556 = arith.addi %mul3A_202, %add3A_555 : vector<16xi32>
    %gather3A_557 = tpu.vector_load_idx %arg6[%add3A_556] : memref<2048xi32, #tpu.memory_space<vmem>>[vector<16xi32>], vector<16xi32>,
    %swap3A_558 = arith.constant 2 : i32
    %swap3A_559 = arith.index_cast %swap3A_558 : i32 to index
    %swap3A_560 = arith.constant 192 : index
    %swap3A_561 = tpu.vector_load %arg7[%swap3A_559, %swap3A_560] {strides = array<i32>} : memref<8x256xi32, #tpu.memory_space<vmem>>, vector<16xi32>,
    tpu.vector_store %arg7[%swap3A_559, %swap3A_560], %gather3A_557 {strides = array<i32>} : memref<8x256xi32, #tpu.memory_space<vmem>>, vector<16xi32>,
    %add3A_562 = arith.constant 1666 : i32
    %add3A_563 = vector.broadcast %add3A_562 : i32 to vector<16xi32>
    %add3A_564 = arith.addi %mul3A_202, %add3A_563 : vector<16xi32>
    %gather3A_565 = tpu.vector_load_idx %arg6[%add3A_564] : memref<2048xi32, #tpu.memory_space<vmem>>[vector<16xi32>], vector<16xi32>,
    %swap3A_566 = arith.constant 2 : i32
    %swap3A_567 = arith.index_cast %swap3A_566 : i32 to index
    %swap3A_568 = arith.constant 208 : index
    %swap3A_569 = tpu.vector_load %arg7[%swap3A_567, %swap3A_568] {strides = array<i32>} : memref<8x256xi32, #tpu.memory_space<vmem>>, vector<16xi32>,
    tpu.vector_store %arg7[%swap3A_567, %swap3A_568], %gather3A_565 {strides = array<i32>} : memref<8x256xi32, #tpu.memory_space<vmem>>, vector<16xi32>,
    %add3A_570 = arith.constant 1794 : i32
    %add3A_571 = vector.broadcast %add3A_570 : i32 to vector<16xi32>
    %add3A_572 = arith.addi %mul3A_202, %add3A_571 : vector<16xi32>
    %gather3A_573 = tpu.vector_load_idx %arg6[%add3A_572] : memref<2048xi32, #tpu.memory_space<vmem>>[vector<16xi32>], vector<16xi32>,
    %swap3A_574 = arith.constant 2 : i32
    %swap3A_575 = arith.index_cast %swap3A_574 : i32 to index
    %swap3A_576 = arith.constant 224 : index
    %swap3A_577 = tpu.vector_load %arg7[%swap3A_575, %swap3A_576] {strides = array<i32>} : memref<8x256xi32, #tpu.memory_space<vmem>>, vector<16xi32>,
    tpu.vector_store %arg7[%swap3A_575, %swap3A_576], %gather3A_573 {strides = array<i32>} : memref<8x256xi32, #tpu.memory_space<vmem>>, vector<16xi32>,
    %add3A_578 = arith.constant 1922 : i32
    %add3A_579 = vector.broadcast %add3A_578 : i32 to vector<16xi32>
    %add3A_580 = arith.addi %mul3A_202, %add3A_579 : vector<16xi32>
    %gather3A_581 = tpu.vector_load_idx %arg6[%add3A_580] : memref<2048xi32, #tpu.memory_space<vmem>>[vector<16xi32>], vector<16xi32>,
    %swap3A_582 = arith.constant 2 : i32
    %swap3A_583 = arith.index_cast %swap3A_582 : i32 to index
    %swap3A_584 = arith.constant 240 : index
    %swap3A_585 = tpu.vector_load %arg7[%swap3A_583, %swap3A_584] {strides = array<i32>} : memref<8x256xi32, #tpu.memory_space<vmem>>, vector<16xi32>,
    tpu.vector_store %arg7[%swap3A_583, %swap3A_584], %gather3A_581 {strides = array<i32>} : memref<8x256xi32, #tpu.memory_space<vmem>>, vector<16xi32>,
    %add3A_586 = arith.constant 3 : i32
    %add3A_587 = vector.broadcast %add3A_586 : i32 to vector<16xi32>
    %add3A_588 = arith.addi %mul3A_202, %add3A_587 : vector<16xi32>
    %gather3A_589 = tpu.vector_load_idx %arg6[%add3A_588] : memref<2048xi32, #tpu.memory_space<vmem>>[vector<16xi32>], vector<16xi32>,
    %swap3A_590 = arith.constant 3 : i32
    %swap3A_591 = arith.index_cast %swap3A_590 : i32 to index
    %swap3A_592 = arith.constant 0 : index
    %swap3A_593 = tpu.vector_load %arg7[%swap3A_591, %swap3A_592] {strides = array<i32>} : memref<8x256xi32, #tpu.memory_space<vmem>>, vector<16xi32>,
    tpu.vector_store %arg7[%swap3A_591, %swap3A_592], %gather3A_589 {strides = array<i32>} : memref<8x256xi32, #tpu.memory_space<vmem>>, vector<16xi32>,
    %add3A_594 = arith.constant 131 : i32
    %add3A_595 = vector.broadcast %add3A_594 : i32 to vector<16xi32>
    %add3A_596 = arith.addi %mul3A_202, %add3A_595 : vector<16xi32>
    %gather3A_597 = tpu.vector_load_idx %arg6[%add3A_596] : memref<2048xi32, #tpu.memory_space<vmem>>[vector<16xi32>], vector<16xi32>,
    %swap3A_598 = arith.constant 3 : i32
    %swap3A_599 = arith.index_cast %swap3A_598 : i32 to index
    %swap3A_600 = arith.constant 16 : index
    %swap3A_601 = tpu.vector_load %arg7[%swap3A_599, %swap3A_600] {strides = array<i32>} : memref<8x256xi32, #tpu.memory_space<vmem>>, vector<16xi32>,
    tpu.vector_store %arg7[%swap3A_599, %swap3A_600], %gather3A_597 {strides = array<i32>} : memref<8x256xi32, #tpu.memory_space<vmem>>, vector<16xi32>,
    %add3A_602 = arith.constant 259 : i32
    %add3A_603 = vector.broadcast %add3A_602 : i32 to vector<16xi32>
    %add3A_604 = arith.addi %mul3A_202, %add3A_603 : vector<16xi32>
    %gather3A_605 = tpu.vector_load_idx %arg6[%add3A_604] : memref<2048xi32, #tpu.memory_space<vmem>>[vector<16xi32>], vector<16xi32>,
    %swap3A_606 = arith.constant 3 : i32
    %swap3A_607 = arith.index_cast %swap3A_606 : i32 to index
    %swap3A_608 = arith.constant 32 : index
    %swap3A_609 = tpu.vector_load %arg7[%swap3A_607, %swap3A_608] {strides = array<i32>} : memref<8x256xi32, #tpu.memory_space<vmem>>, vector<16xi32>,
    tpu.vector_store %arg7[%swap3A_607, %swap3A_608], %gather3A_605 {strides = array<i32>} : memref<8x256xi32, #tpu.memory_space<vmem>>, vector<16xi32>,
    %add3A_610 = arith.constant 387 : i32
    %add3A_611 = vector.broadcast %add3A_610 : i32 to vector<16xi32>
    %add3A_612 = arith.addi %mul3A_202, %add3A_611 : vector<16xi32>
    %gather3A_613 = tpu.vector_load_idx %arg6[%add3A_612] : memref<2048xi32, #tpu.memory_space<vmem>>[vector<16xi32>], vector<16xi32>,
    %swap3A_614 = arith.constant 3 : i32
    %swap3A_615 = arith.index_cast %swap3A_614 : i32 to index
    %swap3A_616 = arith.constant 48 : index
    %swap3A_617 = tpu.vector_load %arg7[%swap3A_615, %swap3A_616] {strides = array<i32>} : memref<8x256xi32, #tpu.memory_space<vmem>>, vector<16xi32>,
    tpu.vector_store %arg7[%swap3A_615, %swap3A_616], %gather3A_613 {strides = array<i32>} : memref<8x256xi32, #tpu.memory_space<vmem>>, vector<16xi32>,
    %add3A_618 = arith.constant 515 : i32
    %add3A_619 = vector.broadcast %add3A_618 : i32 to vector<16xi32>
    %add3A_620 = arith.addi %mul3A_202, %add3A_619 : vector<16xi32>
    %gather3A_621 = tpu.vector_load_idx %arg6[%add3A_620] : memref<2048xi32, #tpu.memory_space<vmem>>[vector<16xi32>], vector<16xi32>,
    %swap3A_622 = arith.constant 3 : i32
    %swap3A_623 = arith.index_cast %swap3A_622 : i32 to index
    %swap3A_624 = arith.constant 64 : index
    %swap3A_625 = tpu.vector_load %arg7[%swap3A_623, %swap3A_624] {strides = array<i32>} : memref<8x256xi32, #tpu.memory_space<vmem>>, vector<16xi32>,
    tpu.vector_store %arg7[%swap3A_623, %swap3A_624], %gather3A_621 {strides = array<i32>} : memref<8x256xi32, #tpu.memory_space<vmem>>, vector<16xi32>,
    %add3A_626 = arith.constant 643 : i32
    %add3A_627 = vector.broadcast %add3A_626 : i32 to vector<16xi32>
    %add3A_628 = arith.addi %mul3A_202, %add3A_627 : vector<16xi32>
    %gather3A_629 = tpu.vector_load_idx %arg6[%add3A_628] : memref<2048xi32, #tpu.memory_space<vmem>>[vector<16xi32>], vector<16xi32>,
    %swap3A_630 = arith.constant 3 : i32
    %swap3A_631 = arith.index_cast %swap3A_630 : i32 to index
    %swap3A_632 = arith.constant 80 : index
    %swap3A_633 = tpu.vector_load %arg7[%swap3A_631, %swap3A_632] {strides = array<i32>} : memref<8x256xi32, #tpu.memory_space<vmem>>, vector<16xi32>,
    tpu.vector_store %arg7[%swap3A_631, %swap3A_632], %gather3A_629 {strides = array<i32>} : memref<8x256xi32, #tpu.memory_space<vmem>>, vector<16xi32>,
    %add3A_634 = arith.constant 771 : i32
    %add3A_635 = vector.broadcast %add3A_634 : i32 to vector<16xi32>
    %add3A_636 = arith.addi %mul3A_202, %add3A_635 : vector<16xi32>
    %gather3A_637 = tpu.vector_load_idx %arg6[%add3A_636] : memref<2048xi32, #tpu.memory_space<vmem>>[vector<16xi32>], vector<16xi32>,
    %swap3A_638 = arith.constant 3 : i32
    %swap3A_639 = arith.index_cast %swap3A_638 : i32 to index
    %swap3A_640 = arith.constant 96 : index
    %swap3A_641 = tpu.vector_load %arg7[%swap3A_639, %swap3A_640] {strides = array<i32>} : memref<8x256xi32, #tpu.memory_space<vmem>>, vector<16xi32>,
    tpu.vector_store %arg7[%swap3A_639, %swap3A_640], %gather3A_637 {strides = array<i32>} : memref<8x256xi32, #tpu.memory_space<vmem>>, vector<16xi32>,
    %add3A_642 = arith.constant 899 : i32
    %add3A_643 = vector.broadcast %add3A_642 : i32 to vector<16xi32>
    %add3A_644 = arith.addi %mul3A_202, %add3A_643 : vector<16xi32>
    %gather3A_645 = tpu.vector_load_idx %arg6[%add3A_644] : memref<2048xi32, #tpu.memory_space<vmem>>[vector<16xi32>], vector<16xi32>,
    %swap3A_646 = arith.constant 3 : i32
    %swap3A_647 = arith.index_cast %swap3A_646 : i32 to index
    %swap3A_648 = arith.constant 112 : index
    %swap3A_649 = tpu.vector_load %arg7[%swap3A_647, %swap3A_648] {strides = array<i32>} : memref<8x256xi32, #tpu.memory_space<vmem>>, vector<16xi32>,
    tpu.vector_store %arg7[%swap3A_647, %swap3A_648], %gather3A_645 {strides = array<i32>} : memref<8x256xi32, #tpu.memory_space<vmem>>, vector<16xi32>,
    %add3A_650 = arith.constant 1027 : i32
    %add3A_651 = vector.broadcast %add3A_650 : i32 to vector<16xi32>
    %add3A_652 = arith.addi %mul3A_202, %add3A_651 : vector<16xi32>
    %gather3A_653 = tpu.vector_load_idx %arg6[%add3A_652] : memref<2048xi32, #tpu.memory_space<vmem>>[vector<16xi32>], vector<16xi32>,
    %swap3A_654 = arith.constant 3 : i32
    %swap3A_655 = arith.index_cast %swap3A_654 : i32 to index
    %swap3A_656 = arith.constant 128 : index
    %swap3A_657 = tpu.vector_load %arg7[%swap3A_655, %swap3A_656] {strides = array<i32>} : memref<8x256xi32, #tpu.memory_space<vmem>>, vector<16xi32>,
    tpu.vector_store %arg7[%swap3A_655, %swap3A_656], %gather3A_653 {strides = array<i32>} : memref<8x256xi32, #tpu.memory_space<vmem>>, vector<16xi32>,
    %add3A_658 = arith.constant 1155 : i32
    %add3A_659 = vector.broadcast %add3A_658 : i32 to vector<16xi32>
    %add3A_660 = arith.addi %mul3A_202, %add3A_659 : vector<16xi32>
    %gather3A_661 = tpu.vector_load_idx %arg6[%add3A_660] : memref<2048xi32, #tpu.memory_space<vmem>>[vector<16xi32>], vector<16xi32>,
    %swap3A_662 = arith.constant 3 : i32
    %swap3A_663 = arith.index_cast %swap3A_662 : i32 to index
    %swap3A_664 = arith.constant 144 : index
    %swap3A_665 = tpu.vector_load %arg7[%swap3A_663, %swap3A_664] {strides = array<i32>} : memref<8x256xi32, #tpu.memory_space<vmem>>, vector<16xi32>,
    tpu.vector_store %arg7[%swap3A_663, %swap3A_664], %gather3A_661 {strides = array<i32>} : memref<8x256xi32, #tpu.memory_space<vmem>>, vector<16xi32>,
    %add3A_666 = arith.constant 1283 : i32
    %add3A_667 = vector.broadcast %add3A_666 : i32 to vector<16xi32>
    %add3A_668 = arith.addi %mul3A_202, %add3A_667 : vector<16xi32>
    %gather3A_669 = tpu.vector_load_idx %arg6[%add3A_668] : memref<2048xi32, #tpu.memory_space<vmem>>[vector<16xi32>], vector<16xi32>,
    %swap3A_670 = arith.constant 3 : i32
    %swap3A_671 = arith.index_cast %swap3A_670 : i32 to index
    %swap3A_672 = arith.constant 160 : index
    %swap3A_673 = tpu.vector_load %arg7[%swap3A_671, %swap3A_672] {strides = array<i32>} : memref<8x256xi32, #tpu.memory_space<vmem>>, vector<16xi32>,
    tpu.vector_store %arg7[%swap3A_671, %swap3A_672], %gather3A_669 {strides = array<i32>} : memref<8x256xi32, #tpu.memory_space<vmem>>, vector<16xi32>,
    %add3A_674 = arith.constant 1411 : i32
    %add3A_675 = vector.broadcast %add3A_674 : i32 to vector<16xi32>
    %add3A_676 = arith.addi %mul3A_202, %add3A_675 : vector<16xi32>
    %gather3A_677 = tpu.vector_load_idx %arg6[%add3A_676] : memref<2048xi32, #tpu.memory_space<vmem>>[vector<16xi32>], vector<16xi32>,
    %swap3A_678 = arith.constant 3 : i32
    %swap3A_679 = arith.index_cast %swap3A_678 : i32 to index
    %swap3A_680 = arith.constant 176 : index
    %swap3A_681 = tpu.vector_load %arg7[%swap3A_679, %swap3A_680] {strides = array<i32>} : memref<8x256xi32, #tpu.memory_space<vmem>>, vector<16xi32>,
    tpu.vector_store %arg7[%swap3A_679, %swap3A_680], %gather3A_677 {strides = array<i32>} : memref<8x256xi32, #tpu.memory_space<vmem>>, vector<16xi32>,
    %add3A_682 = arith.constant 1539 : i32
    %add3A_683 = vector.broadcast %add3A_682 : i32 to vector<16xi32>
    %add3A_684 = arith.addi %mul3A_202, %add3A_683 : vector<16xi32>
    %gather3A_685 = tpu.vector_load_idx %arg6[%add3A_684] : memref<2048xi32, #tpu.memory_space<vmem>>[vector<16xi32>], vector<16xi32>,
    %swap3A_686 = arith.constant 3 : i32
    %swap3A_687 = arith.index_cast %swap3A_686 : i32 to index
    %swap3A_688 = arith.constant 192 : index
    %swap3A_689 = tpu.vector_load %arg7[%swap3A_687, %swap3A_688] {strides = array<i32>} : memref<8x256xi32, #tpu.memory_space<vmem>>, vector<16xi32>,
    tpu.vector_store %arg7[%swap3A_687, %swap3A_688], %gather3A_685 {strides = array<i32>} : memref<8x256xi32, #tpu.memory_space<vmem>>, vector<16xi32>,
    %add3A_690 = arith.constant 1667 : i32
    %add3A_691 = vector.broadcast %add3A_690 : i32 to vector<16xi32>
    %add3A_692 = arith.addi %mul3A_202, %add3A_691 : vector<16xi32>
    %gather3A_693 = tpu.vector_load_idx %arg6[%add3A_692] : memref<2048xi32, #tpu.memory_space<vmem>>[vector<16xi32>], vector<16xi32>,
    %swap3A_694 = arith.constant 3 : i32
    %swap3A_695 = arith.index_cast %swap3A_694 : i32 to index
    %swap3A_696 = arith.constant 208 : index
    %swap3A_697 = tpu.vector_load %arg7[%swap3A_695, %swap3A_696] {strides = array<i32>} : memref<8x256xi32, #tpu.memory_space<vmem>>, vector<16xi32>,
    tpu.vector_store %arg7[%swap3A_695, %swap3A_696], %gather3A_693 {strides = array<i32>} : memref<8x256xi32, #tpu.memory_space<vmem>>, vector<16xi32>,
    %add3A_698 = arith.constant 1795 : i32
    %add3A_699 = vector.broadcast %add3A_698 : i32 to vector<16xi32>
    %add3A_700 = arith.addi %mul3A_202, %add3A_699 : vector<16xi32>
    %gather3A_701 = tpu.vector_load_idx %arg6[%add3A_700] : memref<2048xi32, #tpu.memory_space<vmem>>[vector<16xi32>], vector<16xi32>,
    %swap3A_702 = arith.constant 3 : i32
    %swap3A_703 = arith.index_cast %swap3A_702 : i32 to index
    %swap3A_704 = arith.constant 224 : index
    %swap3A_705 = tpu.vector_load %arg7[%swap3A_703, %swap3A_704] {strides = array<i32>} : memref<8x256xi32, #tpu.memory_space<vmem>>, vector<16xi32>,
    tpu.vector_store %arg7[%swap3A_703, %swap3A_704], %gather3A_701 {strides = array<i32>} : memref<8x256xi32, #tpu.memory_space<vmem>>, vector<16xi32>,
    %add3A_706 = arith.constant 1923 : i32
    %add3A_707 = vector.broadcast %add3A_706 : i32 to vector<16xi32>
    %add3A_708 = arith.addi %mul3A_202, %add3A_707 : vector<16xi32>
    %gather3A_709 = tpu.vector_load_idx %arg6[%add3A_708] : memref<2048xi32, #tpu.memory_space<vmem>>[vector<16xi32>], vector<16xi32>,
    %swap3A_710 = arith.constant 3 : i32
    %swap3A_711 = arith.index_cast %swap3A_710 : i32 to index
    %swap3A_712 = arith.constant 240 : index
    %swap3A_713 = tpu.vector_load %arg7[%swap3A_711, %swap3A_712] {strides = array<i32>} : memref<8x256xi32, #tpu.memory_space<vmem>>, vector<16xi32>,
    tpu.vector_store %arg7[%swap3A_711, %swap3A_712], %gather3A_709 {strides = array<i32>} : memref<8x256xi32, #tpu.memory_space<vmem>>, vector<16xi32>,
    %add3A_714 = arith.constant 4 : i32
    %add3A_715 = vector.broadcast %add3A_714 : i32 to vector<16xi32>
    %add3A_716 = arith.addi %mul3A_202, %add3A_715 : vector<16xi32>
    %gather3A_717 = tpu.vector_load_idx %arg6[%add3A_716] : memref<2048xi32, #tpu.memory_space<vmem>>[vector<16xi32>], vector<16xi32>,
    %swap3A_718 = arith.constant 4 : i32
    %swap3A_719 = arith.index_cast %swap3A_718 : i32 to index
    %swap3A_720 = arith.constant 0 : index
    %swap3A_721 = tpu.vector_load %arg7[%swap3A_719, %swap3A_720] {strides = array<i32>} : memref<8x256xi32, #tpu.memory_space<vmem>>, vector<16xi32>,
    tpu.vector_store %arg7[%swap3A_719, %swap3A_720], %gather3A_717 {strides = array<i32>} : memref<8x256xi32, #tpu.memory_space<vmem>>, vector<16xi32>,
    %add3A_722 = arith.constant 132 : i32
    %add3A_723 = vector.broadcast %add3A_722 : i32 to vector<16xi32>
    %add3A_724 = arith.addi %mul3A_202, %add3A_723 : vector<16xi32>
    %gather3A_725 = tpu.vector_load_idx %arg6[%add3A_724] : memref<2048xi32, #tpu.memory_space<vmem>>[vector<16xi32>], vector<16xi32>,
    %swap3A_726 = arith.constant 4 : i32
    %swap3A_727 = arith.index_cast %swap3A_726 : i32 to index
    %swap3A_728 = arith.constant 16 : index
    %swap3A_729 = tpu.vector_load %arg7[%swap3A_727, %swap3A_728] {strides = array<i32>} : memref<8x256xi32, #tpu.memory_space<vmem>>, vector<16xi32>,
    tpu.vector_store %arg7[%swap3A_727, %swap3A_728], %gather3A_725 {strides = array<i32>} : memref<8x256xi32, #tpu.memory_space<vmem>>, vector<16xi32>,
    %add3A_730 = arith.constant 260 : i32
    %add3A_731 = vector.broadcast %add3A_730 : i32 to vector<16xi32>
    %add3A_732 = arith.addi %mul3A_202, %add3A_731 : vector<16xi32>
    %gather3A_733 = tpu.vector_load_idx %arg6[%add3A_732] : memref<2048xi32, #tpu.memory_space<vmem>>[vector<16xi32>], vector<16xi32>,
    %swap3A_734 = arith.constant 4 : i32
    %swap3A_735 = arith.index_cast %swap3A_734 : i32 to index
    %swap3A_736 = arith.constant 32 : index
    %swap3A_737 = tpu.vector_load %arg7[%swap3A_735, %swap3A_736] {strides = array<i32>} : memref<8x256xi32, #tpu.memory_space<vmem>>, vector<16xi32>,
    tpu.vector_store %arg7[%swap3A_735, %swap3A_736], %gather3A_733 {strides = array<i32>} : memref<8x256xi32, #tpu.memory_space<vmem>>, vector<16xi32>,
    %add3A_738 = arith.constant 388 : i32
    %add3A_739 = vector.broadcast %add3A_738 : i32 to vector<16xi32>
    %add3A_740 = arith.addi %mul3A_202, %add3A_739 : vector<16xi32>
    %gather3A_741 = tpu.vector_load_idx %arg6[%add3A_740] : memref<2048xi32, #tpu.memory_space<vmem>>[vector<16xi32>], vector<16xi32>,
    %swap3A_742 = arith.constant 4 : i32
    %swap3A_743 = arith.index_cast %swap3A_742 : i32 to index
    %swap3A_744 = arith.constant 48 : index
    %swap3A_745 = tpu.vector_load %arg7[%swap3A_743, %swap3A_744] {strides = array<i32>} : memref<8x256xi32, #tpu.memory_space<vmem>>, vector<16xi32>,
    tpu.vector_store %arg7[%swap3A_743, %swap3A_744], %gather3A_741 {strides = array<i32>} : memref<8x256xi32, #tpu.memory_space<vmem>>, vector<16xi32>,
    %add3A_746 = arith.constant 516 : i32
    %add3A_747 = vector.broadcast %add3A_746 : i32 to vector<16xi32>
    %add3A_748 = arith.addi %mul3A_202, %add3A_747 : vector<16xi32>
    %gather3A_749 = tpu.vector_load_idx %arg6[%add3A_748] : memref<2048xi32, #tpu.memory_space<vmem>>[vector<16xi32>], vector<16xi32>,
    %swap3A_750 = arith.constant 4 : i32
    %swap3A_751 = arith.index_cast %swap3A_750 : i32 to index
    %swap3A_752 = arith.constant 64 : index
    %swap3A_753 = tpu.vector_load %arg7[%swap3A_751, %swap3A_752] {strides = array<i32>} : memref<8x256xi32, #tpu.memory_space<vmem>>, vector<16xi32>,
    tpu.vector_store %arg7[%swap3A_751, %swap3A_752], %gather3A_749 {strides = array<i32>} : memref<8x256xi32, #tpu.memory_space<vmem>>, vector<16xi32>,
    %add3A_754 = arith.constant 644 : i32
    %add3A_755 = vector.broadcast %add3A_754 : i32 to vector<16xi32>
    %add3A_756 = arith.addi %mul3A_202, %add3A_755 : vector<16xi32>
    %gather3A_757 = tpu.vector_load_idx %arg6[%add3A_756] : memref<2048xi32, #tpu.memory_space<vmem>>[vector<16xi32>], vector<16xi32>,
    %swap3A_758 = arith.constant 4 : i32
    %swap3A_759 = arith.index_cast %swap3A_758 : i32 to index
    %swap3A_760 = arith.constant 80 : index
    %swap3A_761 = tpu.vector_load %arg7[%swap3A_759, %swap3A_760] {strides = array<i32>} : memref<8x256xi32, #tpu.memory_space<vmem>>, vector<16xi32>,
    tpu.vector_store %arg7[%swap3A_759, %swap3A_760], %gather3A_757 {strides = array<i32>} : memref<8x256xi32, #tpu.memory_space<vmem>>, vector<16xi32>,
    %add3A_762 = arith.constant 772 : i32
    %add3A_763 = vector.broadcast %add3A_762 : i32 to vector<16xi32>
    %add3A_764 = arith.addi %mul3A_202, %add3A_763 : vector<16xi32>
    %gather3A_765 = tpu.vector_load_idx %arg6[%add3A_764] : memref<2048xi32, #tpu.memory_space<vmem>>[vector<16xi32>], vector<16xi32>,
    %swap3A_766 = arith.constant 4 : i32
    %swap3A_767 = arith.index_cast %swap3A_766 : i32 to index
    %swap3A_768 = arith.constant 96 : index
    %swap3A_769 = tpu.vector_load %arg7[%swap3A_767, %swap3A_768] {strides = array<i32>} : memref<8x256xi32, #tpu.memory_space<vmem>>, vector<16xi32>,
    tpu.vector_store %arg7[%swap3A_767, %swap3A_768], %gather3A_765 {strides = array<i32>} : memref<8x256xi32, #tpu.memory_space<vmem>>, vector<16xi32>,
    %add3A_770 = arith.constant 900 : i32
    %add3A_771 = vector.broadcast %add3A_770 : i32 to vector<16xi32>
    %add3A_772 = arith.addi %mul3A_202, %add3A_771 : vector<16xi32>
    %gather3A_773 = tpu.vector_load_idx %arg6[%add3A_772] : memref<2048xi32, #tpu.memory_space<vmem>>[vector<16xi32>], vector<16xi32>,
    %swap3A_774 = arith.constant 4 : i32
    %swap3A_775 = arith.index_cast %swap3A_774 : i32 to index
    %swap3A_776 = arith.constant 112 : index
    %swap3A_777 = tpu.vector_load %arg7[%swap3A_775, %swap3A_776] {strides = array<i32>} : memref<8x256xi32, #tpu.memory_space<vmem>>, vector<16xi32>,
    tpu.vector_store %arg7[%swap3A_775, %swap3A_776], %gather3A_773 {strides = array<i32>} : memref<8x256xi32, #tpu.memory_space<vmem>>, vector<16xi32>,
    %add3A_778 = arith.constant 1028 : i32
    %add3A_779 = vector.broadcast %add3A_778 : i32 to vector<16xi32>
    %add3A_780 = arith.addi %mul3A_202, %add3A_779 : vector<16xi32>
    %gather3A_781 = tpu.vector_load_idx %arg6[%add3A_780] : memref<2048xi32, #tpu.memory_space<vmem>>[vector<16xi32>], vector<16xi32>,
    %swap3A_782 = arith.constant 4 : i32
    %swap3A_783 = arith.index_cast %swap3A_782 : i32 to index
    %swap3A_784 = arith.constant 128 : index
    %swap3A_785 = tpu.vector_load %arg7[%swap3A_783, %swap3A_784] {strides = array<i32>} : memref<8x256xi32, #tpu.memory_space<vmem>>, vector<16xi32>,
    tpu.vector_store %arg7[%swap3A_783, %swap3A_784], %gather3A_781 {strides = array<i32>} : memref<8x256xi32, #tpu.memory_space<vmem>>, vector<16xi32>,
    %add3A_786 = arith.constant 1156 : i32
    %add3A_787 = vector.broadcast %add3A_786 : i32 to vector<16xi32>
    %add3A_788 = arith.addi %mul3A_202, %add3A_787 : vector<16xi32>
    %gather3A_789 = tpu.vector_load_idx %arg6[%add3A_788] : memref<2048xi32, #tpu.memory_space<vmem>>[vector<16xi32>], vector<16xi32>,
    %swap3A_790 = arith.constant 4 : i32
    %swap3A_791 = arith.index_cast %swap3A_790 : i32 to index
    %swap3A_792 = arith.constant 144 : index
    %swap3A_793 = tpu.vector_load %arg7[%swap3A_791, %swap3A_792] {strides = array<i32>} : memref<8x256xi32, #tpu.memory_space<vmem>>, vector<16xi32>,
    tpu.vector_store %arg7[%swap3A_791, %swap3A_792], %gather3A_789 {strides = array<i32>} : memref<8x256xi32, #tpu.memory_space<vmem>>, vector<16xi32>,
    %add3A_794 = arith.constant 1284 : i32
    %add3A_795 = vector.broadcast %add3A_794 : i32 to vector<16xi32>
    %add3A_796 = arith.addi %mul3A_202, %add3A_795 : vector<16xi32>
    %gather3A_797 = tpu.vector_load_idx %arg6[%add3A_796] : memref<2048xi32, #tpu.memory_space<vmem>>[vector<16xi32>], vector<16xi32>,
    %swap3A_798 = arith.constant 4 : i32
    %swap3A_799 = arith.index_cast %swap3A_798 : i32 to index
    %swap3A_800 = arith.constant 160 : index
    %swap3A_801 = tpu.vector_load %arg7[%swap3A_799, %swap3A_800] {strides = array<i32>} : memref<8x256xi32, #tpu.memory_space<vmem>>, vector<16xi32>,
    tpu.vector_store %arg7[%swap3A_799, %swap3A_800], %gather3A_797 {strides = array<i32>} : memref<8x256xi32, #tpu.memory_space<vmem>>, vector<16xi32>,
    %add3A_802 = arith.constant 1412 : i32
    %add3A_803 = vector.broadcast %add3A_802 : i32 to vector<16xi32>
    %add3A_804 = arith.addi %mul3A_202, %add3A_803 : vector<16xi32>
    %gather3A_805 = tpu.vector_load_idx %arg6[%add3A_804] : memref<2048xi32, #tpu.memory_space<vmem>>[vector<16xi32>], vector<16xi32>,
    %swap3A_806 = arith.constant 4 : i32
    %swap3A_807 = arith.index_cast %swap3A_806 : i32 to index
    %swap3A_808 = arith.constant 176 : index
    %swap3A_809 = tpu.vector_load %arg7[%swap3A_807, %swap3A_808] {strides = array<i32>} : memref<8x256xi32, #tpu.memory_space<vmem>>, vector<16xi32>,
    tpu.vector_store %arg7[%swap3A_807, %swap3A_808], %gather3A_805 {strides = array<i32>} : memref<8x256xi32, #tpu.memory_space<vmem>>, vector<16xi32>,
    %add3A_810 = arith.constant 1540 : i32
    %add3A_811 = vector.broadcast %add3A_810 : i32 to vector<16xi32>
    %add3A_812 = arith.addi %mul3A_202, %add3A_811 : vector<16xi32>
    %gather3A_813 = tpu.vector_load_idx %arg6[%add3A_812] : memref<2048xi32, #tpu.memory_space<vmem>>[vector<16xi32>], vector<16xi32>,
    %swap3A_814 = arith.constant 4 : i32
    %swap3A_815 = arith.index_cast %swap3A_814 : i32 to index
    %swap3A_816 = arith.constant 192 : index
    %swap3A_817 = tpu.vector_load %arg7[%swap3A_815, %swap3A_816] {strides = array<i32>} : memref<8x256xi32, #tpu.memory_space<vmem>>, vector<16xi32>,
    tpu.vector_store %arg7[%swap3A_815, %swap3A_816], %gather3A_813 {strides = array<i32>} : memref<8x256xi32, #tpu.memory_space<vmem>>, vector<16xi32>,
    %add3A_818 = arith.constant 1668 : i32
    %add3A_819 = vector.broadcast %add3A_818 : i32 to vector<16xi32>
    %add3A_820 = arith.addi %mul3A_202, %add3A_819 : vector<16xi32>
    %gather3A_821 = tpu.vector_load_idx %arg6[%add3A_820] : memref<2048xi32, #tpu.memory_space<vmem>>[vector<16xi32>], vector<16xi32>,
    %swap3A_822 = arith.constant 4 : i32
    %swap3A_823 = arith.index_cast %swap3A_822 : i32 to index
    %swap3A_824 = arith.constant 208 : index
    %swap3A_825 = tpu.vector_load %arg7[%swap3A_823, %swap3A_824] {strides = array<i32>} : memref<8x256xi32, #tpu.memory_space<vmem>>, vector<16xi32>,
    tpu.vector_store %arg7[%swap3A_823, %swap3A_824], %gather3A_821 {strides = array<i32>} : memref<8x256xi32, #tpu.memory_space<vmem>>, vector<16xi32>,
    %add3A_826 = arith.constant 1796 : i32
    %add3A_827 = vector.broadcast %add3A_826 : i32 to vector<16xi32>
    %add3A_828 = arith.addi %mul3A_202, %add3A_827 : vector<16xi32>
    %gather3A_829 = tpu.vector_load_idx %arg6[%add3A_828] : memref<2048xi32, #tpu.memory_space<vmem>>[vector<16xi32>], vector<16xi32>,
    %swap3A_830 = arith.constant 4 : i32
    %swap3A_831 = arith.index_cast %swap3A_830 : i32 to index
    %swap3A_832 = arith.constant 224 : index
    %swap3A_833 = tpu.vector_load %arg7[%swap3A_831, %swap3A_832] {strides = array<i32>} : memref<8x256xi32, #tpu.memory_space<vmem>>, vector<16xi32>,
    tpu.vector_store %arg7[%swap3A_831, %swap3A_832], %gather3A_829 {strides = array<i32>} : memref<8x256xi32, #tpu.memory_space<vmem>>, vector<16xi32>,
    %add3A_834 = arith.constant 1924 : i32
    %add3A_835 = vector.broadcast %add3A_834 : i32 to vector<16xi32>
    %add3A_836 = arith.addi %mul3A_202, %add3A_835 : vector<16xi32>
    %gather3A_837 = tpu.vector_load_idx %arg6[%add3A_836] : memref<2048xi32, #tpu.memory_space<vmem>>[vector<16xi32>], vector<16xi32>,
    %swap3A_838 = arith.constant 4 : i32
    %swap3A_839 = arith.index_cast %swap3A_838 : i32 to index
    %swap3A_840 = arith.constant 240 : index
    %swap3A_841 = tpu.vector_load %arg7[%swap3A_839, %swap3A_840] {strides = array<i32>} : memref<8x256xi32, #tpu.memory_space<vmem>>, vector<16xi32>,
    tpu.vector_store %arg7[%swap3A_839, %swap3A_840], %gather3A_837 {strides = array<i32>} : memref<8x256xi32, #tpu.memory_space<vmem>>, vector<16xi32>,
    %add3A_842 = arith.constant 5 : i32
    %add3A_843 = vector.broadcast %add3A_842 : i32 to vector<16xi32>
    %add3A_844 = arith.addi %mul3A_202, %add3A_843 : vector<16xi32>
    %gather3A_845 = tpu.vector_load_idx %arg6[%add3A_844] : memref<2048xi32, #tpu.memory_space<vmem>>[vector<16xi32>], vector<16xi32>,
    %swap3A_846 = arith.constant 5 : i32
    %swap3A_847 = arith.index_cast %swap3A_846 : i32 to index
    %swap3A_848 = arith.constant 0 : index
    %swap3A_849 = tpu.vector_load %arg7[%swap3A_847, %swap3A_848] {strides = array<i32>} : memref<8x256xi32, #tpu.memory_space<vmem>>, vector<16xi32>,
    tpu.vector_store %arg7[%swap3A_847, %swap3A_848], %gather3A_845 {strides = array<i32>} : memref<8x256xi32, #tpu.memory_space<vmem>>, vector<16xi32>,
    %add3A_850 = arith.constant 133 : i32
    %add3A_851 = vector.broadcast %add3A_850 : i32 to vector<16xi32>
    %add3A_852 = arith.addi %mul3A_202, %add3A_851 : vector<16xi32>
    %gather3A_853 = tpu.vector_load_idx %arg6[%add3A_852] : memref<2048xi32, #tpu.memory_space<vmem>>[vector<16xi32>], vector<16xi32>,
    %swap3A_854 = arith.constant 5 : i32
    %swap3A_855 = arith.index_cast %swap3A_854 : i32 to index
    %swap3A_856 = arith.constant 16 : index
    %swap3A_857 = tpu.vector_load %arg7[%swap3A_855, %swap3A_856] {strides = array<i32>} : memref<8x256xi32, #tpu.memory_space<vmem>>, vector<16xi32>,
    tpu.vector_store %arg7[%swap3A_855, %swap3A_856], %gather3A_853 {strides = array<i32>} : memref<8x256xi32, #tpu.memory_space<vmem>>, vector<16xi32>,
    %add3A_858 = arith.constant 261 : i32
    %add3A_859 = vector.broadcast %add3A_858 : i32 to vector<16xi32>
    %add3A_860 = arith.addi %mul3A_202, %add3A_859 : vector<16xi32>
    %gather3A_861 = tpu.vector_load_idx %arg6[%add3A_860] : memref<2048xi32, #tpu.memory_space<vmem>>[vector<16xi32>], vector<16xi32>,
    %swap3A_862 = arith.constant 5 : i32
    %swap3A_863 = arith.index_cast %swap3A_862 : i32 to index
    %swap3A_864 = arith.constant 32 : index
    %swap3A_865 = tpu.vector_load %arg7[%swap3A_863, %swap3A_864] {strides = array<i32>} : memref<8x256xi32, #tpu.memory_space<vmem>>, vector<16xi32>,
    tpu.vector_store %arg7[%swap3A_863, %swap3A_864], %gather3A_861 {strides = array<i32>} : memref<8x256xi32, #tpu.memory_space<vmem>>, vector<16xi32>,
    %add3A_866 = arith.constant 389 : i32
    %add3A_867 = vector.broadcast %add3A_866 : i32 to vector<16xi32>
    %add3A_868 = arith.addi %mul3A_202, %add3A_867 : vector<16xi32>
    %gather3A_869 = tpu.vector_load_idx %arg6[%add3A_868] : memref<2048xi32, #tpu.memory_space<vmem>>[vector<16xi32>], vector<16xi32>,
    %swap3A_870 = arith.constant 5 : i32
    %swap3A_871 = arith.index_cast %swap3A_870 : i32 to index
    %swap3A_872 = arith.constant 48 : index
    %swap3A_873 = tpu.vector_load %arg7[%swap3A_871, %swap3A_872] {strides = array<i32>} : memref<8x256xi32, #tpu.memory_space<vmem>>, vector<16xi32>,
    tpu.vector_store %arg7[%swap3A_871, %swap3A_872], %gather3A_869 {strides = array<i32>} : memref<8x256xi32, #tpu.memory_space<vmem>>, vector<16xi32>,
    %add3A_874 = arith.constant 517 : i32
    %add3A_875 = vector.broadcast %add3A_874 : i32 to vector<16xi32>
    %add3A_876 = arith.addi %mul3A_202, %add3A_875 : vector<16xi32>
    %gather3A_877 = tpu.vector_load_idx %arg6[%add3A_876] : memref<2048xi32, #tpu.memory_space<vmem>>[vector<16xi32>], vector<16xi32>,
    %swap3A_878 = arith.constant 5 : i32
    %swap3A_879 = arith.index_cast %swap3A_878 : i32 to index
    %swap3A_880 = arith.constant 64 : index
    %swap3A_881 = tpu.vector_load %arg7[%swap3A_879, %swap3A_880] {strides = array<i32>} : memref<8x256xi32, #tpu.memory_space<vmem>>, vector<16xi32>,
    tpu.vector_store %arg7[%swap3A_879, %swap3A_880], %gather3A_877 {strides = array<i32>} : memref<8x256xi32, #tpu.memory_space<vmem>>, vector<16xi32>,
    %add3A_882 = arith.constant 645 : i32
    %add3A_883 = vector.broadcast %add3A_882 : i32 to vector<16xi32>
    %add3A_884 = arith.addi %mul3A_202, %add3A_883 : vector<16xi32>
    %gather3A_885 = tpu.vector_load_idx %arg6[%add3A_884] : memref<2048xi32, #tpu.memory_space<vmem>>[vector<16xi32>], vector<16xi32>,
    %swap3A_886 = arith.constant 5 : i32
    %swap3A_887 = arith.index_cast %swap3A_886 : i32 to index
    %swap3A_888 = arith.constant 80 : index
    %swap3A_889 = tpu.vector_load %arg7[%swap3A_887, %swap3A_888] {strides = array<i32>} : memref<8x256xi32, #tpu.memory_space<vmem>>, vector<16xi32>,
    tpu.vector_store %arg7[%swap3A_887, %swap3A_888], %gather3A_885 {strides = array<i32>} : memref<8x256xi32, #tpu.memory_space<vmem>>, vector<16xi32>,
    %add3A_890 = arith.constant 773 : i32
    %add3A_891 = vector.broadcast %add3A_890 : i32 to vector<16xi32>
    %add3A_892 = arith.addi %mul3A_202, %add3A_891 : vector<16xi32>
    %gather3A_893 = tpu.vector_load_idx %arg6[%add3A_892] : memref<2048xi32, #tpu.memory_space<vmem>>[vector<16xi32>], vector<16xi32>,
    %swap3A_894 = arith.constant 5 : i32
    %swap3A_895 = arith.index_cast %swap3A_894 : i32 to index
    %swap3A_896 = arith.constant 96 : index
    %swap3A_897 = tpu.vector_load %arg7[%swap3A_895, %swap3A_896] {strides = array<i32>} : memref<8x256xi32, #tpu.memory_space<vmem>>, vector<16xi32>,
    tpu.vector_store %arg7[%swap3A_895, %swap3A_896], %gather3A_893 {strides = array<i32>} : memref<8x256xi32, #tpu.memory_space<vmem>>, vector<16xi32>,
    %add3A_898 = arith.constant 901 : i32
    %add3A_899 = vector.broadcast %add3A_898 : i32 to vector<16xi32>
    %add3A_900 = arith.addi %mul3A_202, %add3A_899 : vector<16xi32>
    %gather3A_901 = tpu.vector_load_idx %arg6[%add3A_900] : memref<2048xi32, #tpu.memory_space<vmem>>[vector<16xi32>], vector<16xi32>,
    %swap3A_902 = arith.constant 5 : i32
    %swap3A_903 = arith.index_cast %swap3A_902 : i32 to index
    %swap3A_904 = arith.constant 112 : index
    %swap3A_905 = tpu.vector_load %arg7[%swap3A_903, %swap3A_904] {strides = array<i32>} : memref<8x256xi32, #tpu.memory_space<vmem>>, vector<16xi32>,
    tpu.vector_store %arg7[%swap3A_903, %swap3A_904], %gather3A_901 {strides = array<i32>} : memref<8x256xi32, #tpu.memory_space<vmem>>, vector<16xi32>,
    %add3A_906 = arith.constant 1029 : i32
    %add3A_907 = vector.broadcast %add3A_906 : i32 to vector<16xi32>
    %add3A_908 = arith.addi %mul3A_202, %add3A_907 : vector<16xi32>
    %gather3A_909 = tpu.vector_load_idx %arg6[%add3A_908] : memref<2048xi32, #tpu.memory_space<vmem>>[vector<16xi32>], vector<16xi32>,
    %swap3A_910 = arith.constant 5 : i32
    %swap3A_911 = arith.index_cast %swap3A_910 : i32 to index
    %swap3A_912 = arith.constant 128 : index
    %swap3A_913 = tpu.vector_load %arg7[%swap3A_911, %swap3A_912] {strides = array<i32>} : memref<8x256xi32, #tpu.memory_space<vmem>>, vector<16xi32>,
    tpu.vector_store %arg7[%swap3A_911, %swap3A_912], %gather3A_909 {strides = array<i32>} : memref<8x256xi32, #tpu.memory_space<vmem>>, vector<16xi32>,
    %add3A_914 = arith.constant 1157 : i32
    %add3A_915 = vector.broadcast %add3A_914 : i32 to vector<16xi32>
    %add3A_916 = arith.addi %mul3A_202, %add3A_915 : vector<16xi32>
    %gather3A_917 = tpu.vector_load_idx %arg6[%add3A_916] : memref<2048xi32, #tpu.memory_space<vmem>>[vector<16xi32>], vector<16xi32>,
    %swap3A_918 = arith.constant 5 : i32
    %swap3A_919 = arith.index_cast %swap3A_918 : i32 to index
    %swap3A_920 = arith.constant 144 : index
    %swap3A_921 = tpu.vector_load %arg7[%swap3A_919, %swap3A_920] {strides = array<i32>} : memref<8x256xi32, #tpu.memory_space<vmem>>, vector<16xi32>,
    tpu.vector_store %arg7[%swap3A_919, %swap3A_920], %gather3A_917 {strides = array<i32>} : memref<8x256xi32, #tpu.memory_space<vmem>>, vector<16xi32>,
    %add3A_922 = arith.constant 1285 : i32
    %add3A_923 = vector.broadcast %add3A_922 : i32 to vector<16xi32>
    %add3A_924 = arith.addi %mul3A_202, %add3A_923 : vector<16xi32>
    %gather3A_925 = tpu.vector_load_idx %arg6[%add3A_924] : memref<2048xi32, #tpu.memory_space<vmem>>[vector<16xi32>], vector<16xi32>,
    %swap3A_926 = arith.constant 5 : i32
    %swap3A_927 = arith.index_cast %swap3A_926 : i32 to index
    %swap3A_928 = arith.constant 160 : index
    %swap3A_929 = tpu.vector_load %arg7[%swap3A_927, %swap3A_928] {strides = array<i32>} : memref<8x256xi32, #tpu.memory_space<vmem>>, vector<16xi32>,
    tpu.vector_store %arg7[%swap3A_927, %swap3A_928], %gather3A_925 {strides = array<i32>} : memref<8x256xi32, #tpu.memory_space<vmem>>, vector<16xi32>,
    %add3A_930 = arith.constant 1413 : i32
    %add3A_931 = vector.broadcast %add3A_930 : i32 to vector<16xi32>
    %add3A_932 = arith.addi %mul3A_202, %add3A_931 : vector<16xi32>
    %gather3A_933 = tpu.vector_load_idx %arg6[%add3A_932] : memref<2048xi32, #tpu.memory_space<vmem>>[vector<16xi32>], vector<16xi32>,
    %swap3A_934 = arith.constant 5 : i32
    %swap3A_935 = arith.index_cast %swap3A_934 : i32 to index
    %swap3A_936 = arith.constant 176 : index
    %swap3A_937 = tpu.vector_load %arg7[%swap3A_935, %swap3A_936] {strides = array<i32>} : memref<8x256xi32, #tpu.memory_space<vmem>>, vector<16xi32>,
    tpu.vector_store %arg7[%swap3A_935, %swap3A_936], %gather3A_933 {strides = array<i32>} : memref<8x256xi32, #tpu.memory_space<vmem>>, vector<16xi32>,
    %add3A_938 = arith.constant 1541 : i32
    %add3A_939 = vector.broadcast %add3A_938 : i32 to vector<16xi32>
    %add3A_940 = arith.addi %mul3A_202, %add3A_939 : vector<16xi32>
    %gather3A_941 = tpu.vector_load_idx %arg6[%add3A_940] : memref<2048xi32, #tpu.memory_space<vmem>>[vector<16xi32>], vector<16xi32>,
    %swap3A_942 = arith.constant 5 : i32
    %swap3A_943 = arith.index_cast %swap3A_942 : i32 to index
    %swap3A_944 = arith.constant 192 : index
    %swap3A_945 = tpu.vector_load %arg7[%swap3A_943, %swap3A_944] {strides = array<i32>} : memref<8x256xi32, #tpu.memory_space<vmem>>, vector<16xi32>,
    tpu.vector_store %arg7[%swap3A_943, %swap3A_944], %gather3A_941 {strides = array<i32>} : memref<8x256xi32, #tpu.memory_space<vmem>>, vector<16xi32>,
    %add3A_946 = arith.constant 1669 : i32
    %add3A_947 = vector.broadcast %add3A_946 : i32 to vector<16xi32>
    %add3A_948 = arith.addi %mul3A_202, %add3A_947 : vector<16xi32>
    %gather3A_949 = tpu.vector_load_idx %arg6[%add3A_948] : memref<2048xi32, #tpu.memory_space<vmem>>[vector<16xi32>], vector<16xi32>,
    %swap3A_950 = arith.constant 5 : i32
    %swap3A_951 = arith.index_cast %swap3A_950 : i32 to index
    %swap3A_952 = arith.constant 208 : index
    %swap3A_953 = tpu.vector_load %arg7[%swap3A_951, %swap3A_952] {strides = array<i32>} : memref<8x256xi32, #tpu.memory_space<vmem>>, vector<16xi32>,
    tpu.vector_store %arg7[%swap3A_951, %swap3A_952], %gather3A_949 {strides = array<i32>} : memref<8x256xi32, #tpu.memory_space<vmem>>, vector<16xi32>,
    %add3A_954 = arith.constant 1797 : i32
    %add3A_955 = vector.broadcast %add3A_954 : i32 to vector<16xi32>
    %add3A_956 = arith.addi %mul3A_202, %add3A_955 : vector<16xi32>
    %gather3A_957 = tpu.vector_load_idx %arg6[%add3A_956] : memref<2048xi32, #tpu.memory_space<vmem>>[vector<16xi32>], vector<16xi32>,
    %swap3A_958 = arith.constant 5 : i32
    %swap3A_959 = arith.index_cast %swap3A_958 : i32 to index
    %swap3A_960 = arith.constant 224 : index
    %swap3A_961 = tpu.vector_load %arg7[%swap3A_959, %swap3A_960] {strides = array<i32>} : memref<8x256xi32, #tpu.memory_space<vmem>>, vector<16xi32>,
    tpu.vector_store %arg7[%swap3A_959, %swap3A_960], %gather3A_957 {strides = array<i32>} : memref<8x256xi32, #tpu.memory_space<vmem>>, vector<16xi32>,
    %add3A_962 = arith.constant 1925 : i32
    %add3A_963 = vector.broadcast %add3A_962 : i32 to vector<16xi32>
    %add3A_964 = arith.addi %mul3A_202, %add3A_963 : vector<16xi32>
    %gather3A_965 = tpu.vector_load_idx %arg6[%add3A_964] : memref<2048xi32, #tpu.memory_space<vmem>>[vector<16xi32>], vector<16xi32>,
    %swap3A_966 = arith.constant 5 : i32
    %swap3A_967 = arith.index_cast %swap3A_966 : i32 to index
    %swap3A_968 = arith.constant 240 : index
    %swap3A_969 = tpu.vector_load %arg7[%swap3A_967, %swap3A_968] {strides = array<i32>} : memref<8x256xi32, #tpu.memory_space<vmem>>, vector<16xi32>,
    tpu.vector_store %arg7[%swap3A_967, %swap3A_968], %gather3A_965 {strides = array<i32>} : memref<8x256xi32, #tpu.memory_space<vmem>>, vector<16xi32>,
    %add3A_970 = arith.constant 6 : i32
    %add3A_971 = vector.broadcast %add3A_970 : i32 to vector<16xi32>
    %add3A_972 = arith.addi %mul3A_202, %add3A_971 : vector<16xi32>
    %gather3A_973 = tpu.vector_load_idx %arg6[%add3A_972] : memref<2048xi32, #tpu.memory_space<vmem>>[vector<16xi32>], vector<16xi32>,
    %swap3A_974 = arith.constant 6 : i32
    %swap3A_975 = arith.index_cast %swap3A_974 : i32 to index
    %swap3A_976 = arith.constant 0 : index
    %swap3A_977 = tpu.vector_load %arg7[%swap3A_975, %swap3A_976] {strides = array<i32>} : memref<8x256xi32, #tpu.memory_space<vmem>>, vector<16xi32>,
    tpu.vector_store %arg7[%swap3A_975, %swap3A_976], %gather3A_973 {strides = array<i32>} : memref<8x256xi32, #tpu.memory_space<vmem>>, vector<16xi32>,
    %add3A_978 = arith.constant 134 : i32
    %add3A_979 = vector.broadcast %add3A_978 : i32 to vector<16xi32>
    %add3A_980 = arith.addi %mul3A_202, %add3A_979 : vector<16xi32>
    %gather3A_981 = tpu.vector_load_idx %arg6[%add3A_980] : memref<2048xi32, #tpu.memory_space<vmem>>[vector<16xi32>], vector<16xi32>,
    %swap3A_982 = arith.constant 6 : i32
    %swap3A_983 = arith.index_cast %swap3A_982 : i32 to index
    %swap3A_984 = arith.constant 16 : index
    %swap3A_985 = tpu.vector_load %arg7[%swap3A_983, %swap3A_984] {strides = array<i32>} : memref<8x256xi32, #tpu.memory_space<vmem>>, vector<16xi32>,
    tpu.vector_store %arg7[%swap3A_983, %swap3A_984], %gather3A_981 {strides = array<i32>} : memref<8x256xi32, #tpu.memory_space<vmem>>, vector<16xi32>,
    %add3A_986 = arith.constant 262 : i32
    %add3A_987 = vector.broadcast %add3A_986 : i32 to vector<16xi32>
    %add3A_988 = arith.addi %mul3A_202, %add3A_987 : vector<16xi32>
    %gather3A_989 = tpu.vector_load_idx %arg6[%add3A_988] : memref<2048xi32, #tpu.memory_space<vmem>>[vector<16xi32>], vector<16xi32>,
    %swap3A_990 = arith.constant 6 : i32
    %swap3A_991 = arith.index_cast %swap3A_990 : i32 to index
    %swap3A_992 = arith.constant 32 : index
    %swap3A_993 = tpu.vector_load %arg7[%swap3A_991, %swap3A_992] {strides = array<i32>} : memref<8x256xi32, #tpu.memory_space<vmem>>, vector<16xi32>,
    tpu.vector_store %arg7[%swap3A_991, %swap3A_992], %gather3A_989 {strides = array<i32>} : memref<8x256xi32, #tpu.memory_space<vmem>>, vector<16xi32>,
    %add3A_994 = arith.constant 390 : i32
    %add3A_995 = vector.broadcast %add3A_994 : i32 to vector<16xi32>
    %add3A_996 = arith.addi %mul3A_202, %add3A_995 : vector<16xi32>
    %gather3A_997 = tpu.vector_load_idx %arg6[%add3A_996] : memref<2048xi32, #tpu.memory_space<vmem>>[vector<16xi32>], vector<16xi32>,
    %swap3A_998 = arith.constant 6 : i32
    %swap3A_999 = arith.index_cast %swap3A_998 : i32 to index
    %swap3A_1000 = arith.constant 48 : index
    %swap3A_1001 = tpu.vector_load %arg7[%swap3A_999, %swap3A_1000] {strides = array<i32>} : memref<8x256xi32, #tpu.memory_space<vmem>>, vector<16xi32>,
    tpu.vector_store %arg7[%swap3A_999, %swap3A_1000], %gather3A_997 {strides = array<i32>} : memref<8x256xi32, #tpu.memory_space<vmem>>, vector<16xi32>,
    %add3A_1002 = arith.constant 518 : i32
    %add3A_1003 = vector.broadcast %add3A_1002 : i32 to vector<16xi32>
    %add3A_1004 = arith.addi %mul3A_202, %add3A_1003 : vector<16xi32>
    %gather3A_1005 = tpu.vector_load_idx %arg6[%add3A_1004] : memref<2048xi32, #tpu.memory_space<vmem>>[vector<16xi32>], vector<16xi32>,
    %swap3A_1006 = arith.constant 6 : i32
    %swap3A_1007 = arith.index_cast %swap3A_1006 : i32 to index
    %swap3A_1008 = arith.constant 64 : index
    %swap3A_1009 = tpu.vector_load %arg7[%swap3A_1007, %swap3A_1008] {strides = array<i32>} : memref<8x256xi32, #tpu.memory_space<vmem>>, vector<16xi32>,
    tpu.vector_store %arg7[%swap3A_1007, %swap3A_1008], %gather3A_1005 {strides = array<i32>} : memref<8x256xi32, #tpu.memory_space<vmem>>, vector<16xi32>,
    %add3A_1010 = arith.constant 646 : i32
    %add3A_1011 = vector.broadcast %add3A_1010 : i32 to vector<16xi32>
    %add3A_1012 = arith.addi %mul3A_202, %add3A_1011 : vector<16xi32>
    %gather3A_1013 = tpu.vector_load_idx %arg6[%add3A_1012] : memref<2048xi32, #tpu.memory_space<vmem>>[vector<16xi32>], vector<16xi32>,
    %swap3A_1014 = arith.constant 6 : i32
    %swap3A_1015 = arith.index_cast %swap3A_1014 : i32 to index
    %swap3A_1016 = arith.constant 80 : index
    %swap3A_1017 = tpu.vector_load %arg7[%swap3A_1015, %swap3A_1016] {strides = array<i32>} : memref<8x256xi32, #tpu.memory_space<vmem>>, vector<16xi32>,
    tpu.vector_store %arg7[%swap3A_1015, %swap3A_1016], %gather3A_1013 {strides = array<i32>} : memref<8x256xi32, #tpu.memory_space<vmem>>, vector<16xi32>,
    %add3A_1018 = arith.constant 774 : i32
    %add3A_1019 = vector.broadcast %add3A_1018 : i32 to vector<16xi32>
    %add3A_1020 = arith.addi %mul3A_202, %add3A_1019 : vector<16xi32>
    %gather3A_1021 = tpu.vector_load_idx %arg6[%add3A_1020] : memref<2048xi32, #tpu.memory_space<vmem>>[vector<16xi32>], vector<16xi32>,
    %swap3A_1022 = arith.constant 6 : i32
    %swap3A_1023 = arith.index_cast %swap3A_1022 : i32 to index
    %swap3A_1024 = arith.constant 96 : index
    %swap3A_1025 = tpu.vector_load %arg7[%swap3A_1023, %swap3A_1024] {strides = array<i32>} : memref<8x256xi32, #tpu.memory_space<vmem>>, vector<16xi32>,
    tpu.vector_store %arg7[%swap3A_1023, %swap3A_1024], %gather3A_1021 {strides = array<i32>} : memref<8x256xi32, #tpu.memory_space<vmem>>, vector<16xi32>,
    %add3A_1026 = arith.constant 902 : i32
    %add3A_1027 = vector.broadcast %add3A_1026 : i32 to vector<16xi32>
    %add3A_1028 = arith.addi %mul3A_202, %add3A_1027 : vector<16xi32>
    %gather3A_1029 = tpu.vector_load_idx %arg6[%add3A_1028] : memref<2048xi32, #tpu.memory_space<vmem>>[vector<16xi32>], vector<16xi32>,
    %swap3A_1030 = arith.constant 6 : i32
    %swap3A_1031 = arith.index_cast %swap3A_1030 : i32 to index
    %swap3A_1032 = arith.constant 112 : index
    %swap3A_1033 = tpu.vector_load %arg7[%swap3A_1031, %swap3A_1032] {strides = array<i32>} : memref<8x256xi32, #tpu.memory_space<vmem>>, vector<16xi32>,
    tpu.vector_store %arg7[%swap3A_1031, %swap3A_1032], %gather3A_1029 {strides = array<i32>} : memref<8x256xi32, #tpu.memory_space<vmem>>, vector<16xi32>,
    %add3A_1034 = arith.constant 1030 : i32
    %add3A_1035 = vector.broadcast %add3A_1034 : i32 to vector<16xi32>
    %add3A_1036 = arith.addi %mul3A_202, %add3A_1035 : vector<16xi32>
    %gather3A_1037 = tpu.vector_load_idx %arg6[%add3A_1036] : memref<2048xi32, #tpu.memory_space<vmem>>[vector<16xi32>], vector<16xi32>,
    %swap3A_1038 = arith.constant 6 : i32
    %swap3A_1039 = arith.index_cast %swap3A_1038 : i32 to index
    %swap3A_1040 = arith.constant 128 : index
    %swap3A_1041 = tpu.vector_load %arg7[%swap3A_1039, %swap3A_1040] {strides = array<i32>} : memref<8x256xi32, #tpu.memory_space<vmem>>, vector<16xi32>,
    tpu.vector_store %arg7[%swap3A_1039, %swap3A_1040], %gather3A_1037 {strides = array<i32>} : memref<8x256xi32, #tpu.memory_space<vmem>>, vector<16xi32>,
    %add3A_1042 = arith.constant 1158 : i32
    %add3A_1043 = vector.broadcast %add3A_1042 : i32 to vector<16xi32>
    %add3A_1044 = arith.addi %mul3A_202, %add3A_1043 : vector<16xi32>
    %gather3A_1045 = tpu.vector_load_idx %arg6[%add3A_1044] : memref<2048xi32, #tpu.memory_space<vmem>>[vector<16xi32>], vector<16xi32>,
    %swap3A_1046 = arith.constant 6 : i32
    %swap3A_1047 = arith.index_cast %swap3A_1046 : i32 to index
    %swap3A_1048 = arith.constant 144 : index
    %swap3A_1049 = tpu.vector_load %arg7[%swap3A_1047, %swap3A_1048] {strides = array<i32>} : memref<8x256xi32, #tpu.memory_space<vmem>>, vector<16xi32>,
    tpu.vector_store %arg7[%swap3A_1047, %swap3A_1048], %gather3A_1045 {strides = array<i32>} : memref<8x256xi32, #tpu.memory_space<vmem>>, vector<16xi32>,
    %add3A_1050 = arith.constant 1286 : i32
    %add3A_1051 = vector.broadcast %add3A_1050 : i32 to vector<16xi32>
    %add3A_1052 = arith.addi %mul3A_202, %add3A_1051 : vector<16xi32>
    %gather3A_1053 = tpu.vector_load_idx %arg6[%add3A_1052] : memref<2048xi32, #tpu.memory_space<vmem>>[vector<16xi32>], vector<16xi32>,
    %swap3A_1054 = arith.constant 6 : i32
    %swap3A_1055 = arith.index_cast %swap3A_1054 : i32 to index
    %swap3A_1056 = arith.constant 160 : index
    %swap3A_1057 = tpu.vector_load %arg7[%swap3A_1055, %swap3A_1056] {strides = array<i32>} : memref<8x256xi32, #tpu.memory_space<vmem>>, vector<16xi32>,
    tpu.vector_store %arg7[%swap3A_1055, %swap3A_1056], %gather3A_1053 {strides = array<i32>} : memref<8x256xi32, #tpu.memory_space<vmem>>, vector<16xi32>,
    %add3A_1058 = arith.constant 1414 : i32
    %add3A_1059 = vector.broadcast %add3A_1058 : i32 to vector<16xi32>
    %add3A_1060 = arith.addi %mul3A_202, %add3A_1059 : vector<16xi32>
    %gather3A_1061 = tpu.vector_load_idx %arg6[%add3A_1060] : memref<2048xi32, #tpu.memory_space<vmem>>[vector<16xi32>], vector<16xi32>,
    %swap3A_1062 = arith.constant 6 : i32
    %swap3A_1063 = arith.index_cast %swap3A_1062 : i32 to index
    %swap3A_1064 = arith.constant 176 : index
    %swap3A_1065 = tpu.vector_load %arg7[%swap3A_1063, %swap3A_1064] {strides = array<i32>} : memref<8x256xi32, #tpu.memory_space<vmem>>, vector<16xi32>,
    tpu.vector_store %arg7[%swap3A_1063, %swap3A_1064], %gather3A_1061 {strides = array<i32>} : memref<8x256xi32, #tpu.memory_space<vmem>>, vector<16xi32>,
    %add3A_1066 = arith.constant 1542 : i32
    %add3A_1067 = vector.broadcast %add3A_1066 : i32 to vector<16xi32>
    %add3A_1068 = arith.addi %mul3A_202, %add3A_1067 : vector<16xi32>
    %gather3A_1069 = tpu.vector_load_idx %arg6[%add3A_1068] : memref<2048xi32, #tpu.memory_space<vmem>>[vector<16xi32>], vector<16xi32>,
    %swap3A_1070 = arith.constant 6 : i32
    %swap3A_1071 = arith.index_cast %swap3A_1070 : i32 to index
    %swap3A_1072 = arith.constant 192 : index
    %swap3A_1073 = tpu.vector_load %arg7[%swap3A_1071, %swap3A_1072] {strides = array<i32>} : memref<8x256xi32, #tpu.memory_space<vmem>>, vector<16xi32>,
    tpu.vector_store %arg7[%swap3A_1071, %swap3A_1072], %gather3A_1069 {strides = array<i32>} : memref<8x256xi32, #tpu.memory_space<vmem>>, vector<16xi32>,
    %add3A_1074 = arith.constant 1670 : i32
    %add3A_1075 = vector.broadcast %add3A_1074 : i32 to vector<16xi32>
    %add3A_1076 = arith.addi %mul3A_202, %add3A_1075 : vector<16xi32>
    %gather3A_1077 = tpu.vector_load_idx %arg6[%add3A_1076] : memref<2048xi32, #tpu.memory_space<vmem>>[vector<16xi32>], vector<16xi32>,
    %swap3A_1078 = arith.constant 6 : i32
    %swap3A_1079 = arith.index_cast %swap3A_1078 : i32 to index
    %swap3A_1080 = arith.constant 208 : index
    %swap3A_1081 = tpu.vector_load %arg7[%swap3A_1079, %swap3A_1080] {strides = array<i32>} : memref<8x256xi32, #tpu.memory_space<vmem>>, vector<16xi32>,
    tpu.vector_store %arg7[%swap3A_1079, %swap3A_1080], %gather3A_1077 {strides = array<i32>} : memref<8x256xi32, #tpu.memory_space<vmem>>, vector<16xi32>,
    %add3A_1082 = arith.constant 1798 : i32
    %add3A_1083 = vector.broadcast %add3A_1082 : i32 to vector<16xi32>
    %add3A_1084 = arith.addi %mul3A_202, %add3A_1083 : vector<16xi32>
    %gather3A_1085 = tpu.vector_load_idx %arg6[%add3A_1084] : memref<2048xi32, #tpu.memory_space<vmem>>[vector<16xi32>], vector<16xi32>,
    %swap3A_1086 = arith.constant 6 : i32
    %swap3A_1087 = arith.index_cast %swap3A_1086 : i32 to index
    %swap3A_1088 = arith.constant 224 : index
    %swap3A_1089 = tpu.vector_load %arg7[%swap3A_1087, %swap3A_1088] {strides = array<i32>} : memref<8x256xi32, #tpu.memory_space<vmem>>, vector<16xi32>,
    tpu.vector_store %arg7[%swap3A_1087, %swap3A_1088], %gather3A_1085 {strides = array<i32>} : memref<8x256xi32, #tpu.memory_space<vmem>>, vector<16xi32>,
    %add3A_1090 = arith.constant 1926 : i32
    %add3A_1091 = vector.broadcast %add3A_1090 : i32 to vector<16xi32>
    %add3A_1092 = arith.addi %mul3A_202, %add3A_1091 : vector<16xi32>
    %gather3A_1093 = tpu.vector_load_idx %arg6[%add3A_1092] : memref<2048xi32, #tpu.memory_space<vmem>>[vector<16xi32>], vector<16xi32>,
    %swap3A_1094 = arith.constant 6 : i32
    %swap3A_1095 = arith.index_cast %swap3A_1094 : i32 to index
    %swap3A_1096 = arith.constant 240 : index
    %swap3A_1097 = tpu.vector_load %arg7[%swap3A_1095, %swap3A_1096] {strides = array<i32>} : memref<8x256xi32, #tpu.memory_space<vmem>>, vector<16xi32>,
    tpu.vector_store %arg7[%swap3A_1095, %swap3A_1096], %gather3A_1093 {strides = array<i32>} : memref<8x256xi32, #tpu.memory_space<vmem>>, vector<16xi32>,
    %add3A_1098 = arith.constant 7 : i32
    %add3A_1099 = vector.broadcast %add3A_1098 : i32 to vector<16xi32>
    %add3A_1100 = arith.addi %mul3A_202, %add3A_1099 : vector<16xi32>
    %gather3A_1101 = tpu.vector_load_idx %arg6[%add3A_1100] : memref<2048xi32, #tpu.memory_space<vmem>>[vector<16xi32>], vector<16xi32>,
    %swap3A_1102 = arith.constant 7 : i32
    %swap3A_1103 = arith.index_cast %swap3A_1102 : i32 to index
    %swap3A_1104 = arith.constant 0 : index
    %swap3A_1105 = tpu.vector_load %arg7[%swap3A_1103, %swap3A_1104] {strides = array<i32>} : memref<8x256xi32, #tpu.memory_space<vmem>>, vector<16xi32>,
    tpu.vector_store %arg7[%swap3A_1103, %swap3A_1104], %gather3A_1101 {strides = array<i32>} : memref<8x256xi32, #tpu.memory_space<vmem>>, vector<16xi32>,
    %add3A_1106 = arith.constant 135 : i32
    %add3A_1107 = vector.broadcast %add3A_1106 : i32 to vector<16xi32>
    %add3A_1108 = arith.addi %mul3A_202, %add3A_1107 : vector<16xi32>
    %gather3A_1109 = tpu.vector_load_idx %arg6[%add3A_1108] : memref<2048xi32, #tpu.memory_space<vmem>>[vector<16xi32>], vector<16xi32>,
    %swap3A_1110 = arith.constant 7 : i32
    %swap3A_1111 = arith.index_cast %swap3A_1110 : i32 to index
    %swap3A_1112 = arith.constant 16 : index
    %swap3A_1113 = tpu.vector_load %arg7[%swap3A_1111, %swap3A_1112] {strides = array<i32>} : memref<8x256xi32, #tpu.memory_space<vmem>>, vector<16xi32>,
    tpu.vector_store %arg7[%swap3A_1111, %swap3A_1112], %gather3A_1109 {strides = array<i32>} : memref<8x256xi32, #tpu.memory_space<vmem>>, vector<16xi32>,
    %add3A_1114 = arith.constant 263 : i32
    %add3A_1115 = vector.broadcast %add3A_1114 : i32 to vector<16xi32>
    %add3A_1116 = arith.addi %mul3A_202, %add3A_1115 : vector<16xi32>
    %gather3A_1117 = tpu.vector_load_idx %arg6[%add3A_1116] : memref<2048xi32, #tpu.memory_space<vmem>>[vector<16xi32>], vector<16xi32>,
    %swap3A_1118 = arith.constant 7 : i32
    %swap3A_1119 = arith.index_cast %swap3A_1118 : i32 to index
    %swap3A_1120 = arith.constant 32 : index
    %swap3A_1121 = tpu.vector_load %arg7[%swap3A_1119, %swap3A_1120] {strides = array<i32>} : memref<8x256xi32, #tpu.memory_space<vmem>>, vector<16xi32>,
    tpu.vector_store %arg7[%swap3A_1119, %swap3A_1120], %gather3A_1117 {strides = array<i32>} : memref<8x256xi32, #tpu.memory_space<vmem>>, vector<16xi32>,
    %add3A_1122 = arith.constant 391 : i32
    %add3A_1123 = vector.broadcast %add3A_1122 : i32 to vector<16xi32>
    %add3A_1124 = arith.addi %mul3A_202, %add3A_1123 : vector<16xi32>
    %gather3A_1125 = tpu.vector_load_idx %arg6[%add3A_1124] : memref<2048xi32, #tpu.memory_space<vmem>>[vector<16xi32>], vector<16xi32>,
    %swap3A_1126 = arith.constant 7 : i32
    %swap3A_1127 = arith.index_cast %swap3A_1126 : i32 to index
    %swap3A_1128 = arith.constant 48 : index
    %swap3A_1129 = tpu.vector_load %arg7[%swap3A_1127, %swap3A_1128] {strides = array<i32>} : memref<8x256xi32, #tpu.memory_space<vmem>>, vector<16xi32>,
    tpu.vector_store %arg7[%swap3A_1127, %swap3A_1128], %gather3A_1125 {strides = array<i32>} : memref<8x256xi32, #tpu.memory_space<vmem>>, vector<16xi32>,
    %add3A_1130 = arith.constant 519 : i32
    %add3A_1131 = vector.broadcast %add3A_1130 : i32 to vector<16xi32>
    %add3A_1132 = arith.addi %mul3A_202, %add3A_1131 : vector<16xi32>
    %gather3A_1133 = tpu.vector_load_idx %arg6[%add3A_1132] : memref<2048xi32, #tpu.memory_space<vmem>>[vector<16xi32>], vector<16xi32>,
    %swap3A_1134 = arith.constant 7 : i32
    %swap3A_1135 = arith.index_cast %swap3A_1134 : i32 to index
    %swap3A_1136 = arith.constant 64 : index
    %swap3A_1137 = tpu.vector_load %arg7[%swap3A_1135, %swap3A_1136] {strides = array<i32>} : memref<8x256xi32, #tpu.memory_space<vmem>>, vector<16xi32>,
    tpu.vector_store %arg7[%swap3A_1135, %swap3A_1136], %gather3A_1133 {strides = array<i32>} : memref<8x256xi32, #tpu.memory_space<vmem>>, vector<16xi32>,
    %add3A_1138 = arith.constant 647 : i32
    %add3A_1139 = vector.broadcast %add3A_1138 : i32 to vector<16xi32>
    %add3A_1140 = arith.addi %mul3A_202, %add3A_1139 : vector<16xi32>
    %gather3A_1141 = tpu.vector_load_idx %arg6[%add3A_1140] : memref<2048xi32, #tpu.memory_space<vmem>>[vector<16xi32>], vector<16xi32>,
    %swap3A_1142 = arith.constant 7 : i32
    %swap3A_1143 = arith.index_cast %swap3A_1142 : i32 to index
    %swap3A_1144 = arith.constant 80 : index
    %swap3A_1145 = tpu.vector_load %arg7[%swap3A_1143, %swap3A_1144] {strides = array<i32>} : memref<8x256xi32, #tpu.memory_space<vmem>>, vector<16xi32>,
    tpu.vector_store %arg7[%swap3A_1143, %swap3A_1144], %gather3A_1141 {strides = array<i32>} : memref<8x256xi32, #tpu.memory_space<vmem>>, vector<16xi32>,
    %add3A_1146 = arith.constant 775 : i32
    %add3A_1147 = vector.broadcast %add3A_1146 : i32 to vector<16xi32>
    %add3A_1148 = arith.addi %mul3A_202, %add3A_1147 : vector<16xi32>
    %gather3A_1149 = tpu.vector_load_idx %arg6[%add3A_1148] : memref<2048xi32, #tpu.memory_space<vmem>>[vector<16xi32>], vector<16xi32>,
    %swap3A_1150 = arith.constant 7 : i32
    %swap3A_1151 = arith.index_cast %swap3A_1150 : i32 to index
    %swap3A_1152 = arith.constant 96 : index
    %swap3A_1153 = tpu.vector_load %arg7[%swap3A_1151, %swap3A_1152] {strides = array<i32>} : memref<8x256xi32, #tpu.memory_space<vmem>>, vector<16xi32>,
    tpu.vector_store %arg7[%swap3A_1151, %swap3A_1152], %gather3A_1149 {strides = array<i32>} : memref<8x256xi32, #tpu.memory_space<vmem>>, vector<16xi32>,
    %add3A_1154 = arith.constant 903 : i32
    %add3A_1155 = vector.broadcast %add3A_1154 : i32 to vector<16xi32>
    %add3A_1156 = arith.addi %mul3A_202, %add3A_1155 : vector<16xi32>
    %gather3A_1157 = tpu.vector_load_idx %arg6[%add3A_1156] : memref<2048xi32, #tpu.memory_space<vmem>>[vector<16xi32>], vector<16xi32>,
    %swap3A_1158 = arith.constant 7 : i32
    %swap3A_1159 = arith.index_cast %swap3A_1158 : i32 to index
    %swap3A_1160 = arith.constant 112 : index
    %swap3A_1161 = tpu.vector_load %arg7[%swap3A_1159, %swap3A_1160] {strides = array<i32>} : memref<8x256xi32, #tpu.memory_space<vmem>>, vector<16xi32>,
    tpu.vector_store %arg7[%swap3A_1159, %swap3A_1160], %gather3A_1157 {strides = array<i32>} : memref<8x256xi32, #tpu.memory_space<vmem>>, vector<16xi32>,
    %add3A_1162 = arith.constant 1031 : i32
    %add3A_1163 = vector.broadcast %add3A_1162 : i32 to vector<16xi32>
    %add3A_1164 = arith.addi %mul3A_202, %add3A_1163 : vector<16xi32>
    %gather3A_1165 = tpu.vector_load_idx %arg6[%add3A_1164] : memref<2048xi32, #tpu.memory_space<vmem>>[vector<16xi32>], vector<16xi32>,
    %swap3A_1166 = arith.constant 7 : i32
    %swap3A_1167 = arith.index_cast %swap3A_1166 : i32 to index
    %swap3A_1168 = arith.constant 128 : index
    %swap3A_1169 = tpu.vector_load %arg7[%swap3A_1167, %swap3A_1168] {strides = array<i32>} : memref<8x256xi32, #tpu.memory_space<vmem>>, vector<16xi32>,
    tpu.vector_store %arg7[%swap3A_1167, %swap3A_1168], %gather3A_1165 {strides = array<i32>} : memref<8x256xi32, #tpu.memory_space<vmem>>, vector<16xi32>,
    %add3A_1170 = arith.constant 1159 : i32
    %add3A_1171 = vector.broadcast %add3A_1170 : i32 to vector<16xi32>
    %add3A_1172 = arith.addi %mul3A_202, %add3A_1171 : vector<16xi32>
    %gather3A_1173 = tpu.vector_load_idx %arg6[%add3A_1172] : memref<2048xi32, #tpu.memory_space<vmem>>[vector<16xi32>], vector<16xi32>,
    %swap3A_1174 = arith.constant 7 : i32
    %swap3A_1175 = arith.index_cast %swap3A_1174 : i32 to index
    %swap3A_1176 = arith.constant 144 : index
    %swap3A_1177 = tpu.vector_load %arg7[%swap3A_1175, %swap3A_1176] {strides = array<i32>} : memref<8x256xi32, #tpu.memory_space<vmem>>, vector<16xi32>,
    tpu.vector_store %arg7[%swap3A_1175, %swap3A_1176], %gather3A_1173 {strides = array<i32>} : memref<8x256xi32, #tpu.memory_space<vmem>>, vector<16xi32>,
    %add3A_1178 = arith.constant 1287 : i32
    %add3A_1179 = vector.broadcast %add3A_1178 : i32 to vector<16xi32>
    %add3A_1180 = arith.addi %mul3A_202, %add3A_1179 : vector<16xi32>
    %gather3A_1181 = tpu.vector_load_idx %arg6[%add3A_1180] : memref<2048xi32, #tpu.memory_space<vmem>>[vector<16xi32>], vector<16xi32>,
    %swap3A_1182 = arith.constant 7 : i32
    %swap3A_1183 = arith.index_cast %swap3A_1182 : i32 to index
    %swap3A_1184 = arith.constant 160 : index
    %swap3A_1185 = tpu.vector_load %arg7[%swap3A_1183, %swap3A_1184] {strides = array<i32>} : memref<8x256xi32, #tpu.memory_space<vmem>>, vector<16xi32>,
    tpu.vector_store %arg7[%swap3A_1183, %swap3A_1184], %gather3A_1181 {strides = array<i32>} : memref<8x256xi32, #tpu.memory_space<vmem>>, vector<16xi32>,
    %add3A_1186 = arith.constant 1415 : i32
    %add3A_1187 = vector.broadcast %add3A_1186 : i32 to vector<16xi32>
    %add3A_1188 = arith.addi %mul3A_202, %add3A_1187 : vector<16xi32>
    %gather3A_1189 = tpu.vector_load_idx %arg6[%add3A_1188] : memref<2048xi32, #tpu.memory_space<vmem>>[vector<16xi32>], vector<16xi32>,
    %swap3A_1190 = arith.constant 7 : i32
    %swap3A_1191 = arith.index_cast %swap3A_1190 : i32 to index
    %swap3A_1192 = arith.constant 176 : index
    %swap3A_1193 = tpu.vector_load %arg7[%swap3A_1191, %swap3A_1192] {strides = array<i32>} : memref<8x256xi32, #tpu.memory_space<vmem>>, vector<16xi32>,
    tpu.vector_store %arg7[%swap3A_1191, %swap3A_1192], %gather3A_1189 {strides = array<i32>} : memref<8x256xi32, #tpu.memory_space<vmem>>, vector<16xi32>,
    %add3A_1194 = arith.constant 1543 : i32
    %add3A_1195 = vector.broadcast %add3A_1194 : i32 to vector<16xi32>
    %add3A_1196 = arith.addi %mul3A_202, %add3A_1195 : vector<16xi32>
    %gather3A_1197 = tpu.vector_load_idx %arg6[%add3A_1196] : memref<2048xi32, #tpu.memory_space<vmem>>[vector<16xi32>], vector<16xi32>,
    %swap3A_1198 = arith.constant 7 : i32
    %swap3A_1199 = arith.index_cast %swap3A_1198 : i32 to index
    %swap3A_1200 = arith.constant 192 : index
    %swap3A_1201 = tpu.vector_load %arg7[%swap3A_1199, %swap3A_1200] {strides = array<i32>} : memref<8x256xi32, #tpu.memory_space<vmem>>, vector<16xi32>,
    tpu.vector_store %arg7[%swap3A_1199, %swap3A_1200], %gather3A_1197 {strides = array<i32>} : memref<8x256xi32, #tpu.memory_space<vmem>>, vector<16xi32>,
    %add3A_1202 = arith.constant 1671 : i32
    %add3A_1203 = vector.broadcast %add3A_1202 : i32 to vector<16xi32>
    %add3A_1204 = arith.addi %mul3A_202, %add3A_1203 : vector<16xi32>
    %gather3A_1205 = tpu.vector_load_idx %arg6[%add3A_1204] : memref<2048xi32, #tpu.memory_space<vmem>>[vector<16xi32>], vector<16xi32>,
    %swap3A_1206 = arith.constant 7 : i32
    %swap3A_1207 = arith.index_cast %swap3A_1206 : i32 to index
    %swap3A_1208 = arith.constant 208 : index
    %swap3A_1209 = tpu.vector_load %arg7[%swap3A_1207, %swap3A_1208] {strides = array<i32>} : memref<8x256xi32, #tpu.memory_space<vmem>>, vector<16xi32>,
    tpu.vector_store %arg7[%swap3A_1207, %swap3A_1208], %gather3A_1205 {strides = array<i32>} : memref<8x256xi32, #tpu.memory_space<vmem>>, vector<16xi32>,
    %add3A_1210 = arith.constant 1799 : i32
    %add3A_1211 = vector.broadcast %add3A_1210 : i32 to vector<16xi32>
    %add3A_1212 = arith.addi %mul3A_202, %add3A_1211 : vector<16xi32>
    %gather3A_1213 = tpu.vector_load_idx %arg6[%add3A_1212] : memref<2048xi32, #tpu.memory_space<vmem>>[vector<16xi32>], vector<16xi32>,
    %swap3A_1214 = arith.constant 7 : i32
    %swap3A_1215 = arith.index_cast %swap3A_1214 : i32 to index
    %swap3A_1216 = arith.constant 224 : index
    %swap3A_1217 = tpu.vector_load %arg7[%swap3A_1215, %swap3A_1216] {strides = array<i32>} : memref<8x256xi32, #tpu.memory_space<vmem>>, vector<16xi32>,
    tpu.vector_store %arg7[%swap3A_1215, %swap3A_1216], %gather3A_1213 {strides = array<i32>} : memref<8x256xi32, #tpu.memory_space<vmem>>, vector<16xi32>,
    %add3A_1218 = arith.constant 1927 : i32
    %add3A_1219 = vector.broadcast %add3A_1218 : i32 to vector<16xi32>
    %add3A_1220 = arith.addi %mul3A_202, %add3A_1219 : vector<16xi32>
    %gather3A_1221 = tpu.vector_load_idx %arg6[%add3A_1220] : memref<2048xi32, #tpu.memory_space<vmem>>[vector<16xi32>], vector<16xi32>,
    %swap3A_1222 = arith.constant 7 : i32
    %swap3A_1223 = arith.index_cast %swap3A_1222 : i32 to index
    %swap3A_1224 = arith.constant 240 : index
    %swap3A_1225 = tpu.vector_load %arg7[%swap3A_1223, %swap3A_1224] {strides = array<i32>} : memref<8x256xi32, #tpu.memory_space<vmem>>, vector<16xi32>,
    tpu.vector_store %arg7[%swap3A_1223, %swap3A_1224], %gather3A_1221 {strides = array<i32>} : memref<8x256xi32, #tpu.memory_space<vmem>>, vector<16xi32>,
    %barrier3A = arith.constant 0 : index
    tpu.barrier barrier_id(%barrier3A)
    %dma_start3A_1226 = arith.constant 0 : i32
    %dma_start3A_1227 = arith.constant 0 : i32
    %dma_start3A_1228 = tpu.memref_slice %arg7[%dma_start3A_1226, %dma_start3A_1227] : memref<8x256xi32, #tpu.memory_space<vmem>> -> memref<1x256xi32, #tpu.memory_space<vmem>>
    %dma_start3A_1229 = tpu.memref_squeeze %dma_start3A_1228 : memref<1x256xi32, #tpu.memory_space<vmem>> -> memref<256xi32, #tpu.memory_space<vmem>>
    %dma_start3A_1230 = arith.constant 0 : i32
    %dma_start3A_1231 = arith.constant 0 : i32
    %dma_start3A_1232 = tpu.memref_slice %arg5[%dma_start3A_1230, %dma_start3A_1231] : memref<256x16xf32, #tpu.memory_space<vmem_shared>> -> memref<256x16xf32, #tpu.memory_space<vmem_shared>>
    tpu.enqueue_indirect_dma source(%dma_start3A_1232 : memref<256x16xf32, #tpu.memory_space<vmem_shared>>) target(%arg8 : memref<256x16xf32, #tpu.memory_space<vmem>>) offsets(%dma_start3A_1229 : memref<256xi32, #tpu.memory_space<vmem>>) semaphore(%arg10 : memref<!tpu.dma_semaphore, #tpu.memory_space<semaphore_mem>>) {add = true}
    %dma_start3A_1233 = arith.constant 1 : i32
    %dma_start3A_1234 = arith.constant 0 : i32
    %dma_start3A_1235 = tpu.memref_slice %arg7[%dma_start3A_1233, %dma_start3A_1234] : memref<8x256xi32, #tpu.memory_space<vmem>> -> memref<1x256xi32, #tpu.memory_space<vmem>>
    %dma_start3A_1236 = tpu.memref_squeeze %dma_start3A_1235 : memref<1x256xi32, #tpu.memory_space<vmem>> -> memref<256xi32, #tpu.memory_space<vmem>>
    %dma_start3A_1237 = arith.constant 0 : i32
    %dma_start3A_1238 = arith.constant 0 : i32
    %dma_start3A_1239 = tpu.memref_slice %arg5[%dma_start3A_1237, %dma_start3A_1238] : memref<256x16xf32, #tpu.memory_space<vmem_shared>> -> memref<256x16xf32, #tpu.memory_space<vmem_shared>>
    tpu.enqueue_indirect_dma source(%dma_start3A_1239 : memref<256x16xf32, #tpu.memory_space<vmem_shared>>) target(%arg8 : memref<256x16xf32, #tpu.memory_space<vmem>>) offsets(%dma_start3A_1236 : memref<256xi32, #tpu.memory_space<vmem>>) semaphore(%arg10 : memref<!tpu.dma_semaphore, #tpu.memory_space<semaphore_mem>>) {add = true}
    %dma_start3A_1240 = arith.constant 2 : i32
    %dma_start3A_1241 = arith.constant 0 : i32
    %dma_start3A_1242 = tpu.memref_slice %arg7[%dma_start3A_1240, %dma_start3A_1241] : memref<8x256xi32, #tpu.memory_space<vmem>> -> memref<1x256xi32, #tpu.memory_space<vmem>>
    %dma_start3A_1243 = tpu.memref_squeeze %dma_start3A_1242 : memref<1x256xi32, #tpu.memory_space<vmem>> -> memref<256xi32, #tpu.memory_space<vmem>>
    %dma_start3A_1244 = arith.constant 0 : i32
    %dma_start3A_1245 = arith.constant 0 : i32
    %dma_start3A_1246 = tpu.memref_slice %arg5[%dma_start3A_1244, %dma_start3A_1245] : memref<256x16xf32, #tpu.memory_space<vmem_shared>> -> memref<256x16xf32, #tpu.memory_space<vmem_shared>>
    tpu.enqueue_indirect_dma source(%dma_start3A_1246 : memref<256x16xf32, #tpu.memory_space<vmem_shared>>) target(%arg8 : memref<256x16xf32, #tpu.memory_space<vmem>>) offsets(%dma_start3A_1243 : memref<256xi32, #tpu.memory_space<vmem>>) semaphore(%arg10 : memref<!tpu.dma_semaphore, #tpu.memory_space<semaphore_mem>>) {add = true}
    %dma_start3A_1247 = arith.constant 3 : i32
    %dma_start3A_1248 = arith.constant 0 : i32
    %dma_start3A_1249 = tpu.memref_slice %arg7[%dma_start3A_1247, %dma_start3A_1248] : memref<8x256xi32, #tpu.memory_space<vmem>> -> memref<1x256xi32, #tpu.memory_space<vmem>>
    %dma_start3A_1250 = tpu.memref_squeeze %dma_start3A_1249 : memref<1x256xi32, #tpu.memory_space<vmem>> -> memref<256xi32, #tpu.memory_space<vmem>>
    %dma_start3A_1251 = arith.constant 0 : i32
    %dma_start3A_1252 = arith.constant 0 : i32
    %dma_start3A_1253 = tpu.memref_slice %arg5[%dma_start3A_1251, %dma_start3A_1252] : memref<256x16xf32, #tpu.memory_space<vmem_shared>> -> memref<256x16xf32, #tpu.memory_space<vmem_shared>>
    tpu.enqueue_indirect_dma source(%dma_start3A_1253 : memref<256x16xf32, #tpu.memory_space<vmem_shared>>) target(%arg8 : memref<256x16xf32, #tpu.memory_space<vmem>>) offsets(%dma_start3A_1250 : memref<256xi32, #tpu.memory_space<vmem>>) semaphore(%arg10 : memref<!tpu.dma_semaphore, #tpu.memory_space<semaphore_mem>>) {add = true}
    %dma_start3A_1254 = arith.constant 4 : i32
    %dma_start3A_1255 = arith.constant 0 : i32
    %dma_start3A_1256 = tpu.memref_slice %arg7[%dma_start3A_1254, %dma_start3A_1255] : memref<8x256xi32, #tpu.memory_space<vmem>> -> memref<1x256xi32, #tpu.memory_space<vmem>>
    %dma_start3A_1257 = tpu.memref_squeeze %dma_start3A_1256 : memref<1x256xi32, #tpu.memory_space<vmem>> -> memref<256xi32, #tpu.memory_space<vmem>>
    %dma_start3A_1258 = arith.constant 0 : i32
    %dma_start3A_1259 = arith.constant 0 : i32
    %dma_start3A_1260 = tpu.memref_slice %arg5[%dma_start3A_1258, %dma_start3A_1259] : memref<256x16xf32, #tpu.memory_space<vmem_shared>> -> memref<256x16xf32, #tpu.memory_space<vmem_shared>>
    tpu.enqueue_indirect_dma source(%dma_start3A_1260 : memref<256x16xf32, #tpu.memory_space<vmem_shared>>) target(%arg8 : memref<256x16xf32, #tpu.memory_space<vmem>>) offsets(%dma_start3A_1257 : memref<256xi32, #tpu.memory_space<vmem>>) semaphore(%arg10 : memref<!tpu.dma_semaphore, #tpu.memory_space<semaphore_mem>>) {add = true}
    %dma_start3A_1261 = arith.constant 5 : i32
    %dma_start3A_1262 = arith.constant 0 : i32
    %dma_start3A_1263 = tpu.memref_slice %arg7[%dma_start3A_1261, %dma_start3A_1262] : memref<8x256xi32, #tpu.memory_space<vmem>> -> memref<1x256xi32, #tpu.memory_space<vmem>>
    %dma_start3A_1264 = tpu.memref_squeeze %dma_start3A_1263 : memref<1x256xi32, #tpu.memory_space<vmem>> -> memref<256xi32, #tpu.memory_space<vmem>>
    %dma_start3A_1265 = arith.constant 0 : i32
    %dma_start3A_1266 = arith.constant 0 : i32
    %dma_start3A_1267 = tpu.memref_slice %arg5[%dma_start3A_1265, %dma_start3A_1266] : memref<256x16xf32, #tpu.memory_space<vmem_shared>> -> memref<256x16xf32, #tpu.memory_space<vmem_shared>>
    tpu.enqueue_indirect_dma source(%dma_start3A_1267 : memref<256x16xf32, #tpu.memory_space<vmem_shared>>) target(%arg8 : memref<256x16xf32, #tpu.memory_space<vmem>>) offsets(%dma_start3A_1264 : memref<256xi32, #tpu.memory_space<vmem>>) semaphore(%arg10 : memref<!tpu.dma_semaphore, #tpu.memory_space<semaphore_mem>>) {add = true}
    %dma_start3A_1268 = arith.constant 6 : i32
    %dma_start3A_1269 = arith.constant 0 : i32
    %dma_start3A_1270 = tpu.memref_slice %arg7[%dma_start3A_1268, %dma_start3A_1269] : memref<8x256xi32, #tpu.memory_space<vmem>> -> memref<1x256xi32, #tpu.memory_space<vmem>>
    %dma_start3A_1271 = tpu.memref_squeeze %dma_start3A_1270 : memref<1x256xi32, #tpu.memory_space<vmem>> -> memref<256xi32, #tpu.memory_space<vmem>>
    %dma_start3A_1272 = arith.constant 0 : i32
    %dma_start3A_1273 = arith.constant 0 : i32
    %dma_start3A_1274 = tpu.memref_slice %arg5[%dma_start3A_1272, %dma_start3A_1273] : memref<256x16xf32, #tpu.memory_space<vmem_shared>> -> memref<256x16xf32, #tpu.memory_space<vmem_shared>>
    tpu.enqueue_indirect_dma source(%dma_start3A_1274 : memref<256x16xf32, #tpu.memory_space<vmem_shared>>) target(%arg8 : memref<256x16xf32, #tpu.memory_space<vmem>>) offsets(%dma_start3A_1271 : memref<256xi32, #tpu.memory_space<vmem>>) semaphore(%arg10 : memref<!tpu.dma_semaphore, #tpu.memory_space<semaphore_mem>>) {add = true}
    %dma_start3A_1275 = arith.constant 7 : i32
    %dma_start3A_1276 = arith.constant 0 : i32
    %dma_start3A_1277 = tpu.memref_slice %arg7[%dma_start3A_1275, %dma_start3A_1276] : memref<8x256xi32, #tpu.memory_space<vmem>> -> memref<1x256xi32, #tpu.memory_space<vmem>>
    %dma_start3A_1278 = tpu.memref_squeeze %dma_start3A_1277 : memref<1x256xi32, #tpu.memory_space<vmem>> -> memref<256xi32, #tpu.memory_space<vmem>>
    %dma_start3A_1279 = arith.constant 0 : i32
    %dma_start3A_1280 = arith.constant 0 : i32
    %dma_start3A_1281 = tpu.memref_slice %arg5[%dma_start3A_1279, %dma_start3A_1280] : memref<256x16xf32, #tpu.memory_space<vmem_shared>> -> memref<256x16xf32, #tpu.memory_space<vmem_shared>>
    tpu.enqueue_indirect_dma source(%dma_start3A_1281 : memref<256x16xf32, #tpu.memory_space<vmem_shared>>) target(%arg8 : memref<256x16xf32, #tpu.memory_space<vmem>>) offsets(%dma_start3A_1278 : memref<256xi32, #tpu.memory_space<vmem>>) semaphore(%arg10 : memref<!tpu.dma_semaphore, #tpu.memory_space<semaphore_mem>>) {add = true}
    %dma_wait3A_1282 = arith.constant 0 : i32
    %dma_wait3A_1283 = arith.constant 0 : i32
    %dma_wait3A_1284 = tpu.memref_slice %arg7[%dma_wait3A_1282, %dma_wait3A_1283] : memref<8x256xi32, #tpu.memory_space<vmem>> -> memref<1x256xi32, #tpu.memory_space<vmem>>
    %dma_wait3A_1285 = tpu.memref_squeeze %dma_wait3A_1284 : memref<1x256xi32, #tpu.memory_space<vmem>> -> memref<256xi32, #tpu.memory_space<vmem>>
    %dma_wait3A_1286 = arith.constant 0 : i32
    %dma_wait3A_1287 = arith.constant 0 : i32
    %dma_wait3A_1288 = tpu.memref_slice %arg5[%dma_wait3A_1286, %dma_wait3A_1287] : memref<256x16xf32, #tpu.memory_space<vmem_shared>> -> memref<256x16xf32, #tpu.memory_space<vmem_shared>>
    tpu.wait_indirect_dma semaphore(%arg10 : memref<!tpu.dma_semaphore, #tpu.memory_space<semaphore_mem>>) src(%dma_wait3A_1288 : memref<256x16xf32, #tpu.memory_space<vmem_shared>>) dst(%arg8 : memref<256x16xf32, #tpu.memory_space<vmem>>)
    %dma_wait3A_1289 = arith.constant 1 : i32
    %dma_wait3A_1290 = arith.constant 0 : i32
    %dma_wait3A_1291 = tpu.memref_slice %arg7[%dma_wait3A_1289, %dma_wait3A_1290] : memref<8x256xi32, #tpu.memory_space<vmem>> -> memref<1x256xi32, #tpu.memory_space<vmem>>
    %dma_wait3A_1292 = tpu.memref_squeeze %dma_wait3A_1291 : memref<1x256xi32, #tpu.memory_space<vmem>> -> memref<256xi32, #tpu.memory_space<vmem>>
    %dma_wait3A_1293 = arith.constant 0 : i32
    %dma_wait3A_1294 = arith.constant 0 : i32
    %dma_wait3A_1295 = tpu.memref_slice %arg5[%dma_wait3A_1293, %dma_wait3A_1294] : memref<256x16xf32, #tpu.memory_space<vmem_shared>> -> memref<256x16xf32, #tpu.memory_space<vmem_shared>>
    tpu.wait_indirect_dma semaphore(%arg10 : memref<!tpu.dma_semaphore, #tpu.memory_space<semaphore_mem>>) src(%dma_wait3A_1295 : memref<256x16xf32, #tpu.memory_space<vmem_shared>>) dst(%arg8 : memref<256x16xf32, #tpu.memory_space<vmem>>)
    %dma_wait3A_1296 = arith.constant 2 : i32
    %dma_wait3A_1297 = arith.constant 0 : i32
    %dma_wait3A_1298 = tpu.memref_slice %arg7[%dma_wait3A_1296, %dma_wait3A_1297] : memref<8x256xi32, #tpu.memory_space<vmem>> -> memref<1x256xi32, #tpu.memory_space<vmem>>
    %dma_wait3A_1299 = tpu.memref_squeeze %dma_wait3A_1298 : memref<1x256xi32, #tpu.memory_space<vmem>> -> memref<256xi32, #tpu.memory_space<vmem>>
    %dma_wait3A_1300 = arith.constant 0 : i32
    %dma_wait3A_1301 = arith.constant 0 : i32
    %dma_wait3A_1302 = tpu.memref_slice %arg5[%dma_wait3A_1300, %dma_wait3A_1301] : memref<256x16xf32, #tpu.memory_space<vmem_shared>> -> memref<256x16xf32, #tpu.memory_space<vmem_shared>>
    tpu.wait_indirect_dma semaphore(%arg10 : memref<!tpu.dma_semaphore, #tpu.memory_space<semaphore_mem>>) src(%dma_wait3A_1302 : memref<256x16xf32, #tpu.memory_space<vmem_shared>>) dst(%arg8 : memref<256x16xf32, #tpu.memory_space<vmem>>)
    %dma_wait3A_1303 = arith.constant 3 : i32
    %dma_wait3A_1304 = arith.constant 0 : i32
    %dma_wait3A_1305 = tpu.memref_slice %arg7[%dma_wait3A_1303, %dma_wait3A_1304] : memref<8x256xi32, #tpu.memory_space<vmem>> -> memref<1x256xi32, #tpu.memory_space<vmem>>
    %dma_wait3A_1306 = tpu.memref_squeeze %dma_wait3A_1305 : memref<1x256xi32, #tpu.memory_space<vmem>> -> memref<256xi32, #tpu.memory_space<vmem>>
    %dma_wait3A_1307 = arith.constant 0 : i32
    %dma_wait3A_1308 = arith.constant 0 : i32
    %dma_wait3A_1309 = tpu.memref_slice %arg5[%dma_wait3A_1307, %dma_wait3A_1308] : memref<256x16xf32, #tpu.memory_space<vmem_shared>> -> memref<256x16xf32, #tpu.memory_space<vmem_shared>>
    tpu.wait_indirect_dma semaphore(%arg10 : memref<!tpu.dma_semaphore, #tpu.memory_space<semaphore_mem>>) src(%dma_wait3A_1309 : memref<256x16xf32, #tpu.memory_space<vmem_shared>>) dst(%arg8 : memref<256x16xf32, #tpu.memory_space<vmem>>)
    %dma_wait3A_1310 = arith.constant 4 : i32
    %dma_wait3A_1311 = arith.constant 0 : i32
    %dma_wait3A_1312 = tpu.memref_slice %arg7[%dma_wait3A_1310, %dma_wait3A_1311] : memref<8x256xi32, #tpu.memory_space<vmem>> -> memref<1x256xi32, #tpu.memory_space<vmem>>
    %dma_wait3A_1313 = tpu.memref_squeeze %dma_wait3A_1312 : memref<1x256xi32, #tpu.memory_space<vmem>> -> memref<256xi32, #tpu.memory_space<vmem>>
    %dma_wait3A_1314 = arith.constant 0 : i32
    %dma_wait3A_1315 = arith.constant 0 : i32
    %dma_wait3A_1316 = tpu.memref_slice %arg5[%dma_wait3A_1314, %dma_wait3A_1315] : memref<256x16xf32, #tpu.memory_space<vmem_shared>> -> memref<256x16xf32, #tpu.memory_space<vmem_shared>>
    tpu.wait_indirect_dma semaphore(%arg10 : memref<!tpu.dma_semaphore, #tpu.memory_space<semaphore_mem>>) src(%dma_wait3A_1316 : memref<256x16xf32, #tpu.memory_space<vmem_shared>>) dst(%arg8 : memref<256x16xf32, #tpu.memory_space<vmem>>)
    %dma_wait3A_1317 = arith.constant 5 : i32
    %dma_wait3A_1318 = arith.constant 0 : i32
    %dma_wait3A_1319 = tpu.memref_slice %arg7[%dma_wait3A_1317, %dma_wait3A_1318] : memref<8x256xi32, #tpu.memory_space<vmem>> -> memref<1x256xi32, #tpu.memory_space<vmem>>
    %dma_wait3A_1320 = tpu.memref_squeeze %dma_wait3A_1319 : memref<1x256xi32, #tpu.memory_space<vmem>> -> memref<256xi32, #tpu.memory_space<vmem>>
    %dma_wait3A_1321 = arith.constant 0 : i32
    %dma_wait3A_1322 = arith.constant 0 : i32
    %dma_wait3A_1323 = tpu.memref_slice %arg5[%dma_wait3A_1321, %dma_wait3A_1322] : memref<256x16xf32, #tpu.memory_space<vmem_shared>> -> memref<256x16xf32, #tpu.memory_space<vmem_shared>>
    tpu.wait_indirect_dma semaphore(%arg10 : memref<!tpu.dma_semaphore, #tpu.memory_space<semaphore_mem>>) src(%dma_wait3A_1323 : memref<256x16xf32, #tpu.memory_space<vmem_shared>>) dst(%arg8 : memref<256x16xf32, #tpu.memory_space<vmem>>)
    %dma_wait3A_1324 = arith.constant 6 : i32
    %dma_wait3A_1325 = arith.constant 0 : i32
    %dma_wait3A_1326 = tpu.memref_slice %arg7[%dma_wait3A_1324, %dma_wait3A_1325] : memref<8x256xi32, #tpu.memory_space<vmem>> -> memref<1x256xi32, #tpu.memory_space<vmem>>
    %dma_wait3A_1327 = tpu.memref_squeeze %dma_wait3A_1326 : memref<1x256xi32, #tpu.memory_space<vmem>> -> memref<256xi32, #tpu.memory_space<vmem>>
    %dma_wait3A_1328 = arith.constant 0 : i32
    %dma_wait3A_1329 = arith.constant 0 : i32
    %dma_wait3A_1330 = tpu.memref_slice %arg5[%dma_wait3A_1328, %dma_wait3A_1329] : memref<256x16xf32, #tpu.memory_space<vmem_shared>> -> memref<256x16xf32, #tpu.memory_space<vmem_shared>>
    tpu.wait_indirect_dma semaphore(%arg10 : memref<!tpu.dma_semaphore, #tpu.memory_space<semaphore_mem>>) src(%dma_wait3A_1330 : memref<256x16xf32, #tpu.memory_space<vmem_shared>>) dst(%arg8 : memref<256x16xf32, #tpu.memory_space<vmem>>)
    %dma_wait3A_1331 = arith.constant 7 : i32
    %dma_wait3A_1332 = arith.constant 0 : i32
    %dma_wait3A_1333 = tpu.memref_slice %arg7[%dma_wait3A_1331, %dma_wait3A_1332] : memref<8x256xi32, #tpu.memory_space<vmem>> -> memref<1x256xi32, #tpu.memory_space<vmem>>
    %dma_wait3A_1334 = tpu.memref_squeeze %dma_wait3A_1333 : memref<1x256xi32, #tpu.memory_space<vmem>> -> memref<256xi32, #tpu.memory_space<vmem>>
    %dma_wait3A_1335 = arith.constant 0 : i32
    %dma_wait3A_1336 = arith.constant 0 : i32
    %dma_wait3A_1337 = tpu.memref_slice %arg5[%dma_wait3A_1335, %dma_wait3A_1336] : memref<256x16xf32, #tpu.memory_space<vmem_shared>> -> memref<256x16xf32, #tpu.memory_space<vmem_shared>>
    tpu.wait_indirect_dma semaphore(%arg10 : memref<!tpu.dma_semaphore, #tpu.memory_space<semaphore_mem>>) src(%dma_wait3A_1337 : memref<256x16xf32, #tpu.memory_space<vmem_shared>>) dst(%arg8 : memref<256x16xf32, #tpu.memory_space<vmem>>)
    %mul3A_1338 = arith.constant 256 : i32
    %mul3A_1339 = arith.muli %select_n3A_30, %mul3A_1338 : i32
    "tpu.region"() ({
      %run_scoped3A = tpu.sem_alloc : memref<!tpu.dma_semaphore, #tpu.memory_space<semaphore_mem>>
      %dma_start3A_1340 = arith.constant 0 : i32
      %dma_start3A_1341 = tpu.memref_slice %arg4[%select_n3A, %mul3A_1339, %dma_start3A_1340] : memref<16x512x16xf32, #tpu.memory_space<hbm>> -> memref<1x256x16xf32, #tpu.memory_space<hbm>>
      %dma_start3A_1342 = tpu.memref_squeeze %dma_start3A_1341 : memref<1x256x16xf32, #tpu.memory_space<hbm>> -> memref<256x16xf32, #tpu.memory_space<hbm>>
      %dma_start3A_1343 = arith.constant 0 : i32
      %dma_start3A_1344 = tpu.memref_slice %arg4[%select_n3A, %mul3A_1339, %dma_start3A_1343] : memref<16x512x16xf32, #tpu.memory_space<hbm>> -> memref<1x256x16xf32, #tpu.memory_space<hbm>>
      %dma_start3A_1345 = tpu.memref_squeeze %dma_start3A_1344 : memref<1x256x16xf32, #tpu.memory_space<hbm>> -> memref<256x16xf32, #tpu.memory_space<hbm>>
      tpu.enqueue_dma source(%arg8 : memref<256x16xf32, #tpu.memory_space<vmem>>) target(%dma_start3A_1345 : memref<256x16xf32, #tpu.memory_space<hbm>>) target_semaphore(%run_scoped3A : memref<!tpu.dma_semaphore, #tpu.memory_space<semaphore_mem>>)
      %dma_wait3A_1346 = arith.constant 0 : i32
      %dma_wait3A_1347 = tpu.memref_slice %arg4[%select_n3A, %mul3A_1339, %dma_wait3A_1346] : memref<16x512x16xf32, #tpu.memory_space<hbm>> -> memref<1x256x16xf32, #tpu.memory_space<hbm>>
      %dma_wait3A_1348 = tpu.memref_squeeze %dma_wait3A_1347 : memref<1x256x16xf32, #tpu.memory_space<hbm>> -> memref<256x16xf32, #tpu.memory_space<hbm>>
      %dma_wait3A_1349 = arith.constant 0 : i32
      %dma_wait3A_1350 = tpu.memref_slice %arg4[%select_n3A, %mul3A_1339, %dma_wait3A_1349] : memref<16x512x16xf32, #tpu.memory_space<hbm>> -> memref<1x256x16xf32, #tpu.memory_space<hbm>>
      %dma_wait3A_1351 = tpu.memref_squeeze %dma_wait3A_1350 : memref<1x256x16xf32, #tpu.memory_space<hbm>> -> memref<256x16xf32, #tpu.memory_space<hbm>>
      tpu.wait_dma2 semaphore(%run_scoped3A : memref<!tpu.dma_semaphore, #tpu.memory_space<semaphore_mem>>) src(%arg8 : memref<256x16xf32, #tpu.memory_space<vmem>>) dst(%dma_wait3A_1351 : memref<256x16xf32, #tpu.memory_space<hbm>>)
      tpu.yield
    }) : () -> ()
    return
  }
}

</mosaic_0001>

<sc_bundles>
// kernel: kernel.3.cloned.1.call-start
scs
__scs_entry_jumppad:
0x0: {  	(pc) =	sbr.rel $0x88, $3  }
0x1: {  	(tag) =	ssettag $0x0;
	lr =	simm.s32 $0x1  }
0x2: {  	[smem:$0x3F9F] =	sst lr;
	_ =	strace $0xD0000000  }
0x3: {  	_ = 	snop  }
0x4: {  	_ = 	snop  }
0x5: {  	_ = 	snop  }
0x6: {  	_ = 	snop  }
0x7: {  	_ = 	snop  }
__scs_overlays_trampoline_lowered:
0x8: {  	[smem:$0x3FAE] =	sst s0  }
0x9: {  	[smem:$0x3FAF] =	sst s1  }
0xa: {  	[smem:$0x3FB0] =	sst s2  }
0xb: {  	[smem:$0x3FB1] =	sst s3  }
0xc: {  	[smem:$0x3FB2] =	sst s4  }
0xd: {  	[smem:$0x3FB3] =	sst s5  }
0xe: {  	[smem:$0x3FB4] =	sst s6  }
0xf: {  	[smem:$0x3FB5] =	sst s7  }
0x10: {  	[smem:$0x3FB6] =	sst s8  }
0x11: {  	[smem:$0x3FB7] =	sst s9;
	s0 =	simm.s32 @!p0 $0x0  }
0x12: {  	s1 =	sld [smem:$0x3F9D];
	s0 =	simm.s32 @p0 $0x1  }
0x13: {  	[smem:$0x3FB8] =	sst s0;
	s0 =	simm.s32 @!p1 $0x0  }
0x14: {  	s2 =	sld [smem:$0x3F9C];
	s0 =	simm.s32 @p1 $0x1  }
0x15: {  	[smem:$0x3FB9] =	sst s0;
	s0 =	simm.s32 @!p2 $0x0  }
0x16: {  	s3 =	sld [smem:$0x3FDB];
	s0 =	simm.s32 @p2 $0x1  }
0x17: {  	s4 =	simm.s32 $0x1BF5;
	[smem:$0x3FBB] =	sst s0  }
0x18: {  	s0 =	sld [smem:$0x3F9E];
	_ =	swait.ge [sflag:s4], $0x0  }
0x19: {  	s7 =	sld [smem:$0x3F9F]  }
0x1a: {  	s8 =	sadd.s32 $0xFFFFE003, lr  }
0x1b: {  	s9 =	sadd.s32 $0xFFFFFEF7, lr;
	s5 =	simm.s32 $0xFFFFFFFF;
	p2 =	slt.u32 s8, $0xFFFFF086  }
0x1c: {  	p1 =	slt.u32 s9, $0xF7A;
	s5 =	simm.s32 @!p2 $0x0  }
0x1d: {  	s5 =	simm.s32 @p1 $0x1;
	p0 =	seq.s32 s7, s2  }
0x1e: {  	s7 =	smul.u32 @!p0 $0xF7A, s2;
	p2 =	seq.s32 @!p0 s5, $0x0  }
0x1f: {  	s9 =	smul.u32 $0xF7A, s1;
	s8 =	simm.s32 @!p0 $0x1BF5;
	p2 =	por !p2, p0  }
0x20: {  	[sflag:s8] =	ssyncset.s32 @!p0 $0xFFFFF086;
	s6 =	sadd.s32 @!p0 s3, s7;
	s7 =	simm.s32 @!p0 $0x108  }
0x21: {  	s3 =	sadd.s32 s3, s9;
	s6 =	sadd.s32 @!p0 $0x88, s6;
	s7 =	simm.s32 @p2 $0x1082  }
0x22: {  	[simem:s7], [sflag:s8] =	dma.local @!p0 [hbm:s6], $0xF7A  }
0x23: {  	s9 =	sor.u32 $0xD0000000, s2;
	s6 =	simm.s32 $0x108;
	_ =	swait.ge @!p0 [sflag:s8], $0x0  }
0x24: {  	s3 =	sadd.s32 $0x88, s3;
	s6 =	simm.s32 @!p1 $0x1082;
	[sflag:s4] =	ssyncset.s32 $0xFFFFF086  }
0x25: {  	[simem:s6], [sflag:s4] =	dma.local [hbm:s3], $0xF7A  }
0x26: {  	[smem:$0x3F9F] =	sst s1;
	(tag) =	ssettag s2;
	_ =	strace s9  }
0x27: {  	s1 =	sld [smem:$0x3FAF]  }
0x28: {  	s2 =	sld [smem:$0x3FB0]  }
0x29: {  	s4 =	sld [smem:$0x3FB2]  }
0x2a: {  	p0 =	seq.s32 s5, $0x0;
	s5 =	sld [smem:$0x3FB3]  }
0x2b: {  	s6 =	sld [smem:$0x3FB4]  }
0x2c: {  	s7 =	sld [smem:$0x3FB5]  }
0x2d: {  	s3 =	simm.s32 $0x108;
	s8 =	sld [smem:$0x3FB6]  }
0x2e: {  	s3 =	simm.s32 @!p0 $0x1082;
	s9 =	sld [smem:$0x3FB7]  }
0x2f: {  	lr =	sadd.s32 s0, s3;
	s0 =	sld [smem:$0x3FAE]  }
0x30: {  	s3 =	sld [smem:$0x3FB1]  }
0x31: {  	[smem:$0x3FBA] =	sst s10  }
0x32: {  	s10 =	sld [smem:$0x3FB8];
	_ =	sdelay $0x3  }
0x33: {  	p0 =	seq.s32 s10, $0x1;
	s10 =	sld [smem:$0x3FBA];
	_ =	sdelay $0x3  }
0x34: {  	[smem:$0x3FBA] =	sst s10  }
0x35: {  	s10 =	sld [smem:$0x3FB9];
	_ =	sdelay $0x3  }
0x36: {  	p1 =	seq.s32 s10, $0x1;
	s10 =	sld [smem:$0x3FBA];
	_ =	sdelay $0x3  }
0x37: {  	[smem:$0x3FBA] =	sst s10  }
0x38: {  	s10 =	sld [smem:$0x3FBB]  }
0x39: {  	_ = 	snop;
	(pc) =	sbr.ind lr, $3  }
0x3a: {  	_ = 	snop  }
0x3b: {  	_ = 	snop  }
0x3c: {  	p2 =	seq.s32 s10, $0x1;
	s10 =	sld [smem:$0x3FBA]  }
0x3d: {  	_ =	shalt  }
0x3e: {  	_ =	shalt  }
0x3f: {  	_ =	shalt  }
0x40: {  	_ =	shalt  }
0x41: {  	_ =	shalt  }
0x42: {  	_ =	shalt  }
0x43: {  	_ =	shalt  }
0x44: {  	_ =	shalt  }
0x45: {  	_ =	shalt  }
0x46: {  	_ =	shalt  }
0x47: {  	_ =	shalt  }
0x48: {  	_ =	shalt  }
0x49: {  	_ =	shalt  }
0x4a: {  	_ =	shalt  }
0x4b: {  	_ =	shalt  }
0x4c: {  	_ =	shalt  }
0x4d: {  	_ =	shalt  }
0x4e: {  	_ =	shalt  }
0x4f: {  	_ =	shalt  }
0x50: {  	_ =	shalt  }
0x51: {  	_ =	shalt  }
0x52: {  	_ =	shalt  }
0x53: {  	_ =	shalt  }
0x54: {  	_ =	shalt  }
0x55: {  	_ =	shalt  }
0x56: {  	_ =	shalt  }
0x57: {  	_ =	shalt  }
0x58: {  	_ =	shalt  }
0x59: {  	_ =	shalt  }
0x5a: {  	_ =	shalt  }
0x5b: {  	_ =	shalt  }
0x5c: {  	_ =	shalt  }
0x5d: {  	_ =	shalt  }
0x5e: {  	_ =	shalt  }
0x5f: {  	_ =	shalt  }
0x60: {  	_ =	shalt  }
0x61: {  	_ =	shalt  }
0x62: {  	_ =	shalt  }
0x63: {  	_ =	shalt  }
0x64: {  	_ =	shalt  }
0x65: {  	_ =	shalt  }
0x66: {  	_ =	shalt  }
0x67: {  	_ =	shalt  }
0x68: {  	_ =	shalt  }
0x69: {  	_ =	shalt  }
0x6a: {  	_ =	shalt  }
0x6b: {  	_ =	shalt  }
0x6c: {  	_ =	shalt  }
0x6d: {  	_ =	shalt  }
0x6e: {  	_ =	shalt  }
0x6f: {  	_ =	shalt  }
0x70: {  	_ =	shalt  }
0x71: {  	_ =	shalt  }
0x72: {  	_ =	shalt  }
0x73: {  	_ =	shalt  }
0x74: {  	_ =	shalt  }
0x75: {  	_ =	shalt  }
0x76: {  	_ =	shalt  }
0x77: {  	_ =	shalt  }
0x78: {  	_ =	shalt  }
0x79: {  	_ =	shalt  }
0x7a: {  	_ =	shalt  }
0x7b: {  	_ =	shalt  }
0x7c: {  	_ =	shalt  }
0x7d: {  	_ =	shalt  }
0x7e: {  	_ =	shalt  }
0x7f: {  	_ =	shalt  }
0x80: {  	_ =	shalt  }
0x81: {  	_ =	shalt  }
0x82: {  	_ =	shalt  }
0x83: {  	_ =	shalt  }
0x84: {  	_ =	shalt  }
0x85: {  	_ =	shalt  }
0x86: {  	_ =	shalt  }
0x87: {  	_ =	shalt  }
.Lfunc_end0:
.L_simem_size_0:
called_computation_lowered:
.L_overlay_start_0:
0x88: {  	s2 =	sld [smem:$0x3FD9]  }
0x89: {  	s3 =	sld [smem:$0x3FFE];
	_ =	sdelay $0x1  }
0x8a: {  	s1 =	srdreg.scid  }
0x8b: {  	s0 =	sand.u32 $0x1, s1  }
0x8c: {  	s17 =	sshll.u32 s0, $0xA;
	s2 =	sadd.s32 s3, s2  }
0x8d: {  	s2 =	sadd.s32 s2, s17  }
0x8e: {  	[smem:$0x3FC6] =	sst s2  }
0x8f: {  	_ = 	snop  }
0x90: {  	s2 =	sld [smem:$0x3FD0];
	(tm) =	ssettm $0x1  }
0x91: {  	s18 =	sld [smem:$0x3FFB];
	_ =	sdelay $0x3  }
0x92: {  	_ =	strace s18  }
0x93: {  	s3 =	sld [smem:$0x3FFC];
	_ =	sdelay $0x3  }
0x94: {  	_ =	strace s3  }
0x95: {  	s3 =	sld [smem:$0x3FFD];
	_ =	sdelay $0x3  }
0x96: {  	_ =	strace s3  }
0x97: {  	_ =	strace $0x8FFFFFFF  }
0x98: {  	s19 =	sld [smem:$0x3FDB];
	_ =	sdelay $0x1  }
0x99: {  	s4 =	simm.s32 $_scs_section_size  }
0x9a: {  	s5 =	simm.s32 $_size__tile_overlayer_lowered;
	s6 =	simm.s32 $_tile_overlayer_lowered  }
0x9b: {  	s22 =	simm.s32 $0x1BFF;
	s21 =	sshll.u32 s6, $0x1;
	s3 =	sadd.s32 s4, s19  }
0x9c: {  	s7 =	simm.s32 $0x0;
	s20 =	sshll.u32 s5, $0x1;
	s5 =	sadd.s32 s21, s3  }
0x9d: {  	[timem:s7], [sflag:s22] =	dma.local [hbm:s5], s20  }
0x9e: {  	_ =	swait.ge [sflag:s22], s20  }
0x9f: {  	s4 =	ssub.s32 $0x0, s20;
	[sflag:s22] =	ssyncset.done $0x0  }
0xa0: {  	[sflag:s22] =	ssyncadd.s32 s4;
	_ =	sdelay $0x1  }
0xa1: {  	s23 =	simm.s32 $0x1B8B  }
0xa2: {  	_ =	swait.ge [sflag:s23], $0x1  }
0xa3: {  	[sflag:s23] =	ssyncset.done $0x0  }
0xa4: {  	s25 =	simm.s32 $0x1B8E;
	s24 =	sld [smem:$0x3FFE];
	[sflag:s23] =	ssyncadd.s32 $0xFFFFFFFF  }
0xa5: {  	s26 =	simm.s32 $execute0_lowered;
	[smem:$0x3FD2] =	sst s25  }
0xa6: {  	s5 =	sshll.u32 s26, $0x1;
	_ =	strace $0x80000046;
	[dreg:$0x1] =	wrdreg $0xFFFFFFFF  }
0xa7: {  	s28 =	simm.s32 $_size_execute0_lowered;
	s3 =	sadd.s32 s3, s5;
	[dreg:$0x0] =	wrdreg $0x0  }
0xa8: {  	s5 =	sshll.u32 s28, $0x1;
	[dreg:$0x2] =	wrdreg s3  }
0xa9: {  	[dreg:$0x3] =	wrdreg s5  }
0xaa: {  	[dreg:$0x4] =	wrdreg $0xC0  }
0xab: {  	_ =	task [dreg:s7], $0x5FFFF  }
0xac: {  	[dreg:$0x1] =	wrdreg $0xFFFFFFFF  }
0xad: {  	[dreg:$0x0] =	wrdreg $0x60  }
0xae: {  	[dreg:$0x2] =	wrdreg s24  }
0xaf: {  	[dreg:$0x3] =	wrdreg s2  }
0xb0: {  	[dreg:$0x4] =	wrdreg $0x0  }
0xb1: {  	[dreg:$0x5] =	wrdreg $0x9  }
0xb2: {  	_ =	task.clear_ibuf [dreg:s7], $0x6FFFF;
	_ =	strace $0x90000046  }
0xb3: {  	s29 =	simm.s32 $0x9;
	_ =	strace $0x80000048  }
0xb4: {  	_ =	swait.ge [sflag:s29], $0x1  }
0xb5: {  	[sflag:s29] =	ssyncadd.s32 $0xFFFFFFFF  }
0xb6: {  	_ =	strace $0x90000048  }
0xb7: {  	_ =	sfence  }
0xb8: {  	s30 =	sld [smem:$0x0];
	_ =	sdelay $0x2  }
0xb9: {  	s31 =	sshll.u32 s1, $0xD;
	s1 =	sshrl.u32 s1, $0x2  }
0xba: {  	s3 =	sand.u32 $0x4000, s31;
	s1 =	sadd.s32 s1, s30  }
0xbb: {  	s0 =	sor.u32 s3, s0;
	s1 =	sshll.u32 s1, $0x11  }
0xbc: {  	s0 =	sor.u32 s1, s0  }
0xbd: {  	s0 =	sadd.s32 $0x8F2B, s0  }
0xbe: {  	[sflag:s0] =	ssyncadd.remote.s32 $0x1  }
0xbf: {  	_ =	sfence.sel $0xFFFF  }
0xc0: {  	[dreg:$0x0] =	wrdreg $0xFFFFFFFF;
	(pc) =	sbr.abs _section_cstart, $3  }
0xc1: {  	[dreg:$0x1] =	wrdreg $0xFFFFFFFF  }
0xc2: {  	_ =	task.clear_ibuf [dreg:s7], $0x2FFFF;
	_ =	strace $0x9FFFFFFF  }
0xc3: {  	(tm) =	ssettm $0x7FFFFFFF  }
tec
execute0_lowered:
.L_overlay_start_1:
0x0: {  	(tag) =	ssettag $0x1  }
0x1: {  	v0 =	vlaneseq.u32  }
0x2: {  	v0 =	vmul.u32 $0x8, v0;
	_ =	sdelay $0x1  }
0x3: {  	v1 =	vimm.f32 $0.0e+00;
	v2 =	vor.u32 $0x80, v0;
	v9 =	vor.u32 $0x400, v0  }
0x4: {  	v10 =	vor.u32 $0x480, v0;
	v11 =	vor.u32 $0x500, v0;
	v12 =	vor.u32 $0x580, v0  }
0x5: {  	s6 =	rddreg [dreg:$0x0];
	v13 =	vor.u32 $0x600, v0;
	v14 =	vor.u32 $0x680, v0;
	v15 =	vor.u32 $0x700, v0  }
0x6: {  	s1 =	srdreg.scid;
	s8 =	rddreg [dreg:$0x1];
	v16 =	vor.u32 $0x780, v0;
	v17 =	vor.u32 $0x1, v0;
	v18 =	vor.u32 $0x81, v0  }
0x7: {  	s0 =	stileid.u32;
	s3 =	simm.s32 $0x1;
	s2 =	rddreg [dreg:$0x2];
	v19 =	vor.u32 $0x101, v0;
	v20 =	vor.u32 $0x181, v0;
	v21 =	vor.u32 $0x201, v0  }
0x8: {  	s13 =	simm.s32 $0x4;
	s14 =	simm.s32 $0x2;
	s15 =	simm.s32 $0x900;
	v22 =	vor.u32 $0x281, v0;
	v23 =	vor.u32 $0x301, v0;
	v24 =	vor.u32 $0x381, v0  }
0x9: {  	s16 =	simm.s32 $0x1100;
	s17 =	simm.s32 $0xA00;
	s18 =	simm.s32 $0xB00;
	v25 =	vor.u32 $0x401, v0;
	v26 =	vor.u32 $0x481, v0;
	v27 =	vor.u32 $0x501, v0  }
0xa: {  	s19 =	simm.s32 $0xC00;
	s20 =	simm.s32 $0xD00;
	s21 =	simm.s32 $0xE00;
	v28 =	vor.u32 $0x581, v0;
	v29 =	vor.u32 $0x601, v0;
	v30 =	vor.u32 $0x681, v0  }
0xb: {  	s22 =	simm.s32 $0xF00;
	s23 =	simm.s32 $0x1000;
	s5 =	sand.u32 $0x1, s1;
	v31 =	vor.u32 $0x701, v0;
	v32 =	vor.u32 $0x781, v0;
	v33 =	vor.u32 $0x2, v0  }
0xc: {  	s24 =	simm.s32 $0x0;
	s10 =	sshll.u32 s0, $0x5;
	s1 =	sor.u32 s5, s0;
	v34 =	vor.u32 $0x82, v0;
	v35 =	vor.u32 $0x102, v0;
	v36 =	vor.u32 $0x182, v0  }
0xd: {  	s30 =	sshll.u32 s0, $0x8;
	p1 =	seq.s32 s5, $0x1;
	p0 =	seq.s32 s1, $0x0;
	v37 =	vor.u32 $0x202, v0;
	v38 =	vor.u32 $0x282, v0;
	v39 =	vor.u32 $0x302, v0  }
0xe: {  	s9 =	sshll.u32 s5, $0xB;
	s26 =	sadd.s32 s10, s6;
	v40 =	vor.u32 $0x382, v0;
	v41 =	vor.u32 $0x402, v0;
	v42 =	vor.u32 $0x482, v0;
	p0 =	por !p0, !p1  }
0xf: {  	s29 =	ssub.s32 $0x2, s5;
	s12 =	sshll.u32 s5, $0xC;
	v43 =	vor.u32 $0x502, v0;
	v44 =	vor.u32 $0x582, v0;
	[tilespmem:$0x1FF90] =	vst v2;
	v2 =	vor.u32 $0x100, v0;
	p0 =	por !p0, !p0  }
0x10: {  	s1 =	rddreg [dreg:$0x3];
	s11 =	sshrl.u32 s29, $0x1;
	v45 =	vor.u32 $0x602, v0;
	v46 =	vor.u32 $0x682, v0;
	[tilespmem:$0x1FFA0] =	vst v2;
	v2 =	vor.u32 $0x180, v0;
	s3 =	simm.s32 @!p0 $0x0  }
0x11: {  	v47 =	vor.u32 $0x702, v0;
	v48 =	vor.u32 $0x782, v0;
	s10 =	ssub.s32 s29, s11;
	s11 =	simm.s32 $0x2100;
	[tilespmem:$0x1FFB0] =	vst v2;
	v2 =	vor.u32 $0x200, v0;
	s7 =	ssub.s32 s0, s3  }
0x12: {  	v49 =	vor.u32 $0x3, v0;
	v50 =	vor.u32 $0x83, v0;
	[tilespmem:$0x1FFC0] =	vst v2;
	v2 =	vor.u32 $0x280, v0;
	s3 =	simm.s32 $0x0;
	s4 =	sshll.u32 s7, $0xC;
	s7 =	sshll.u32 s7, $0xD  }
0x13: {  	v51 =	vor.u32 $0x103, v0;
	v52 =	vor.u32 $0x183, v0;
	[tilespmem:$0x1FFD0] =	vst v2;
	v2 =	vor.u32 $0x300, v0;
	[smem:$0x7FF] =	sst s3;
	s4 =	sor.u32 s9, s4;
	s7 =	sor.u32 s12, s7  }
0x14: {  	v53 =	vor.u32 $0x203, v0;
	v54 =	vor.u32 $0x283, v0;
	[tilespmem:$0x1FFE0] =	vst v2;
	v2 =	vor.u32 $0x380, v0;
	s9 =	smax.u32 s10, $0x1;
	s10 =	simm.s32 $0x100;
	s12 =	simm.s32 $0x3  }
0x15: {  	v55 =	vor.u32 $0x303, v0;
	v56 =	vor.u32 $0x383, v0;
	v57 =	vor.u32 $0x403, v0;
	[tilespmem:$0x1FFF0] =	vst v2;
	s28 =	sshrl.u32 s4, $0x3;
	s4 =	simm.s32 $0x1;
	s31 =	sshrl.u32 s7, $0x3  }
0x16: {  	v58 =	vor.u32 $0x483, v0;
	v59 =	vor.u32 $0x503, v0;
	v60 =	vor.u32 $0x583, v0;
	s7 =	sadd.s32 s30, s2;
	_ =	strace $0x80000047;
	s6 =	sadd.s32 s28, s6  }
0x17: {  	v61 =	vor.u32 $0x603, v0;
	v62 =	vor.u32 $0x683, v0;
	v63 =	vor.u32 $0x703, v0;
	s8 =	sadd.s32 s8, s31;
	s5 =	sadd.s32 $0x600, s6;
	s6 =	sadd.s32 $0x400, s26  }
.LBB2_1:
0x18: {  	[tilespmem:s10], [sflag:$0x2] =	stream.linear.gather [hbm4b:s5+s3], $0x800, $0x38;
	[tilespmem:$0x2200] =	vst v63  }
0x19: {  	s25 =	simm.s32 $0x1140  }
0x1a: {  	[tilespmem:s11], [sflag:$0x3] =	stream.linear.gather [hbm4b:s6+s3], $0x100, $0x38;
	[tilespmem:$0x2200] =	vst v63  }
0x1b: {  	[tilespmem:s25+$0xFFFFFFC0] =	vst v1  }
0x1c: {  	[tilespmem:s25+$0x30] =	vst v1  }
0x1d: {  	[tilespmem:s25+$0x20] =	vst v1  }
0x1e: {  	[tilespmem:s25+$0x10] =	vst v1  }
0x1f: {  	[tilespmem:s25+$0x0] =	vst v1  }
0x20: {  	[tilespmem:s25+$0xFFFFFFF0] =	vst v1  }
0x21: {  	s26 =	simm.s32 $0x0;
	[tilespmem:s25+$0xFFFFFFE0] =	vst v1  }
.LBB2_2:
0x22: {  	s26 =	sadd.s32 $0x8, s26;
	[tilespmem:s25+$0xFFFFFFD0] =	vst v1;
	s25 =	sadd.s32 $0x80, s25  }
0x23: {  	[tilespmem:s25+$0xFFFFFFC0] =	vst v1;
	p0 =	slt.u32 s26, $0xF8  }
0x24: {  	[tilespmem:s25+$0x30] =	vst v1  }
.Ltmp0:
0x25: {  	[tilespmem:s25+$0x20] =	vst v1;
	(pc) =	sbr.rel @p0 .LBB2_2-.Ltmp0, $4  }
0x26: {  	[tilespmem:s25+$0x10] =	vst v1  }
0x27: {  	[tilespmem:s25+$0x0] =	vst v1  }
0x28: {  	[tilespmem:s25+$0xFFFFFFF0] =	vst v1  }
0x29: {  	[tilespmem:s25+$0xFFFFFFE0] =	vst v1  }
0x2a: {  	[tilespmem:s25+$0xFFFFFFD0] =	vst v1  }
0x2b: {  	_ =	swait.ge [sflag:s12], $0x100  }
0x2c: {  	[sflag:s12] =	ssyncset.done $0x0  }
0x2d: {  	[sflag:s12] =	ssyncadd.s32 $0xFFFFFF00  }
0x2e: {  	v2 =	vld [tilespmem:$0x2100]  }
0x2f: {  	v3 =	vld [tilespmem:$0x2110]  }
0x30: {  	v4 =	vld [tilespmem:$0x2120]  }
0x31: {  	v5 =	vld [tilespmem:$0x2130]  }
0x32: {  	v6 =	vld [tilespmem:$0x2140]  }
0x33: {  	v7 =	vld [tilespmem:$0x2150];
	v2 =	vmul.f32 $1.250000000e-01, v2  }
0x34: {  	v8 =	vld [tilespmem:$0x2160];
	v3 =	vmul.f32 $1.250000000e-01, v3  }
0x35: {  	[tilespmem:$0x2100] =	vst v2;
	v2 =	vmul.f32 $1.250000000e-01, v4;
	v4 =	vld [tilespmem:$0x2170]  }
0x36: {  	[tilespmem:$0x2110] =	vst v3;
	v3 =	vmul.f32 $1.250000000e-01, v5;
	v5 =	vld [tilespmem:$0x2180]  }
0x37: {  	[tilespmem:$0x2120] =	vst v2;
	v2 =	vmul.f32 $1.250000000e-01, v6;
	v6 =	vld [tilespmem:$0x2190]  }
0x38: {  	[tilespmem:$0x2130] =	vst v3;
	v3 =	vmul.f32 $1.250000000e-01, v7;
	v7 =	vld [tilespmem:$0x21A0]  }
0x39: {  	[tilespmem:$0x2140] =	vst v2;
	v2 =	vmul.f32 $1.250000000e-01, v8;
	v8 =	vld [tilespmem:$0x21B0]  }
0x3a: {  	[tilespmem:$0x2150] =	vst v3;
	v3 =	vmul.f32 $1.250000000e-01, v4;
	v4 =	vld [tilespmem:$0x21C0]  }
0x3b: {  	[tilespmem:$0x2160] =	vst v2;
	v2 =	vmul.f32 $1.250000000e-01, v5;
	v5 =	vld [tilespmem:$0x21D0]  }
0x3c: {  	[tilespmem:$0x2170] =	vst v3;
	v3 =	vmul.f32 $1.250000000e-01, v6;
	v6 =	vld [tilespmem:$0x21E0]  }
0x3d: {  	[tilespmem:$0x2180] =	vst v2;
	v2 =	vmul.f32 $1.250000000e-01, v7;
	v7 =	vld [tilespmem:$0x21F0]  }
0x3e: {  	[tilespmem:$0x2190] =	vst v3;
	v3 =	vmul.f32 $1.250000000e-01, v8  }
0x3f: {  	[tilespmem:$0x21A0] =	vst v2;
	v2 =	vmul.f32 $1.250000000e-01, v4  }
0x40: {  	[tilespmem:$0x21B0] =	vst v3;
	v3 =	vmul.f32 $1.250000000e-01, v5  }
0x41: {  	[tilespmem:$0x21C0] =	vst v2;
	v2 =	vmul.f32 $1.250000000e-01, v6  }
0x42: {  	[tilespmem:$0x21D0] =	vst v3;
	v3 =	vmul.f32 $1.250000000e-01, v7  }
0x43: {  	[tilespmem:$0x21E0] =	vst v2  }
0x44: {  	[tilespmem:$0x21F0] =	vst v3  }
0x45: {  	[spmem:s7] =	stream.linear.scatter [tilespmem:s11], [sflag:$0x4], $0x100, $0x38;
	[tilespmem:$0x2200] =	vst v63  }
0x46: {  	_ =	swait.ge [sflag:s13], $0x100  }
0x47: {  	[sflag:s13] =	ssyncset.done $0x0  }
0x48: {  	[sflag:s13] =	ssyncadd.s32 $0xFFFFFF00  }
0x49: {  	_ =	swait.ge [sflag:s14], $0x800  }
0x4a: {  	[sflag:s14] =	ssyncset.done $0x0  }
0x4b: {  	[sflag:s14] =	ssyncadd.s32 $0xFFFFF800  }
0x4c: {  	v2 =	vld.idx.msk [tilespmem:v0+s10+$0x0], $0xffff;
	_ =	sdelay $0x4  }
0x4d: {  	[tilespmem:$0x900] =	vst v2;
	v2 =	vld [tilespmem:$0x1FF90];
	_ =	sdelay $0x7  }
0x4e: {  	v2 =	vld.idx.msk [tilespmem:v2+s10+$0x0], $0xffff;
	_ =	sdelay $0x4  }
0x4f: {  	[tilespmem:$0x910] =	vst v2;
	v2 =	vld [tilespmem:$0x1FFA0];
	_ =	sdelay $0x7  }
0x50: {  	v2 =	vld.idx.msk [tilespmem:v2+s10+$0x0], $0xffff;
	_ =	sdelay $0x4  }
0x51: {  	[tilespmem:$0x920] =	vst v2;
	v2 =	vld [tilespmem:$0x1FFB0];
	_ =	sdelay $0x7  }
0x52: {  	v2 =	vld.idx.msk [tilespmem:v2+s10+$0x0], $0xffff;
	_ =	sdelay $0x4  }
0x53: {  	[tilespmem:$0x930] =	vst v2;
	v2 =	vld [tilespmem:$0x1FFC0];
	_ =	sdelay $0x7  }
0x54: {  	v2 =	vld.idx.msk [tilespmem:v2+s10+$0x0], $0xffff;
	_ =	sdelay $0x4  }
0x55: {  	[tilespmem:$0x940] =	vst v2;
	v2 =	vld [tilespmem:$0x1FFD0];
	_ =	sdelay $0x7  }
0x56: {  	v2 =	vld.idx.msk [tilespmem:v2+s10+$0x0], $0xffff;
	_ =	sdelay $0x4  }
0x57: {  	[tilespmem:$0x950] =	vst v2;
	v2 =	vld [tilespmem:$0x1FFE0];
	_ =	sdelay $0x7  }
0x58: {  	v2 =	vld.idx.msk [tilespmem:v2+s10+$0x0], $0xffff;
	_ =	sdelay $0x4  }
0x59: {  	[tilespmem:$0x960] =	vst v2;
	v2 =	vld [tilespmem:$0x1FFF0];
	_ =	sdelay $0x7  }
0x5a: {  	v2 =	vld.idx.msk [tilespmem:v2+s10+$0x0], $0xffff;
	_ =	sdelay $0x4  }
0x5b: {  	[tilespmem:$0x970] =	vst v2  }
0x5c: {  	v2 =	vld.idx.msk [tilespmem:v9+s10+$0x0], $0xffff;
	_ =	sdelay $0x4  }
0x5d: {  	[tilespmem:$0x980] =	vst v2  }
0x5e: {  	v2 =	vld.idx.msk [tilespmem:v10+s10+$0x0], $0xffff;
	_ =	sdelay $0x4  }
0x5f: {  	[tilespmem:$0x990] =	vst v2  }
0x60: {  	v2 =	vld.idx.msk [tilespmem:v11+s10+$0x0], $0xffff;
	_ =	sdelay $0x4  }
0x61: {  	[tilespmem:$0x9A0] =	vst v2  }
0x62: {  	v2 =	vld.idx.msk [tilespmem:v12+s10+$0x0], $0xffff;
	_ =	sdelay $0x4  }
0x63: {  	[tilespmem:$0x9B0] =	vst v2  }
0x64: {  	v2 =	vld.idx.msk [tilespmem:v13+s10+$0x0], $0xffff;
	_ =	sdelay $0x4  }
0x65: {  	[tilespmem:$0x9C0] =	vst v2  }
0x66: {  	v2 =	vld.idx.msk [tilespmem:v14+s10+$0x0], $0xffff;
	_ =	sdelay $0x4  }
0x67: {  	[tilespmem:$0x9D0] =	vst v2  }
0x68: {  	v2 =	vld.idx.msk [tilespmem:v15+s10+$0x0], $0xffff;
	_ =	sdelay $0x4  }
0x69: {  	[tilespmem:$0x9E0] =	vst v2  }
0x6a: {  	v2 =	vld.idx.msk [tilespmem:v16+s10+$0x0], $0xffff;
	_ =	sdelay $0x4  }
0x6b: {  	[tilespmem:$0x9F0] =	vst v2  }
0x6c: {  	v2 =	vld.idx.msk [tilespmem:v17+s10+$0x0], $0xffff;
	_ =	sdelay $0x4  }
0x6d: {  	[tilespmem:$0xA00] =	vst v2  }
0x6e: {  	v2 =	vld.idx.msk [tilespmem:v18+s10+$0x0], $0xffff;
	_ =	sdelay $0x4  }
0x6f: {  	[tilespmem:$0xA10] =	vst v2  }
0x70: {  	v2 =	vld.idx.msk [tilespmem:v19+s10+$0x0], $0xffff;
	_ =	sdelay $0x4  }
0x71: {  	[tilespmem:$0xA20] =	vst v2  }
0x72: {  	v2 =	vld.idx.msk [tilespmem:v20+s10+$0x0], $0xffff;
	_ =	sdelay $0x4  }
0x73: {  	[tilespmem:$0xA30] =	vst v2  }
0x74: {  	v2 =	vld.idx.msk [tilespmem:v21+s10+$0x0], $0xffff;
	_ =	sdelay $0x4  }
0x75: {  	[tilespmem:$0xA40] =	vst v2  }
0x76: {  	v2 =	vld.idx.msk [tilespmem:v22+s10+$0x0], $0xffff;
	_ =	sdelay $0x4  }
0x77: {  	[tilespmem:$0xA50] =	vst v2  }
0x78: {  	v2 =	vld.idx.msk [tilespmem:v23+s10+$0x0], $0xffff;
	_ =	sdelay $0x4  }
0x79: {  	[tilespmem:$0xA60] =	vst v2  }
0x7a: {  	v2 =	vld.idx.msk [tilespmem:v24+s10+$0x0], $0xffff;
	_ =	sdelay $0x4  }
0x7b: {  	[tilespmem:$0xA70] =	vst v2  }
0x7c: {  	v2 =	vld.idx.msk [tilespmem:v25+s10+$0x0], $0xffff;
	_ =	sdelay $0x4  }
0x7d: {  	[tilespmem:$0xA80] =	vst v2  }
0x7e: {  	v2 =	vld.idx.msk [tilespmem:v26+s10+$0x0], $0xffff;
	_ =	sdelay $0x4  }
0x7f: {  	[tilespmem:$0xA90] =	vst v2  }
0x80: {  	v2 =	vld.idx.msk [tilespmem:v27+s10+$0x0], $0xffff;
	_ =	sdelay $0x4  }
0x81: {  	[tilespmem:$0xAA0] =	vst v2  }
0x82: {  	v2 =	vld.idx.msk [tilespmem:v28+s10+$0x0], $0xffff;
	_ =	sdelay $0x4  }
0x83: {  	[tilespmem:$0xAB0] =	vst v2  }
0x84: {  	v2 =	vld.idx.msk [tilespmem:v29+s10+$0x0], $0xffff;
	_ =	sdelay $0x4  }
0x85: {  	[tilespmem:$0xAC0] =	vst v2  }
0x86: {  	v2 =	vld.idx.msk [tilespmem:v30+s10+$0x0], $0xffff;
	_ =	sdelay $0x4  }
0x87: {  	[tilespmem:$0xAD0] =	vst v2  }
0x88: {  	v2 =	vld.idx.msk [tilespmem:v31+s10+$0x0], $0xffff;
	_ =	sdelay $0x4  }
0x89: {  	[tilespmem:$0xAE0] =	vst v2  }
0x8a: {  	v2 =	vld.idx.msk [tilespmem:v32+s10+$0x0], $0xffff;
	_ =	sdelay $0x4  }
0x8b: {  	[tilespmem:$0xAF0] =	vst v2  }
0x8c: {  	v2 =	vld.idx.msk [tilespmem:v33+s10+$0x0], $0xffff;
	_ =	sdelay $0x4  }
0x8d: {  	[tilespmem:$0xB00] =	vst v2  }
0x8e: {  	v2 =	vld.idx.msk [tilespmem:v34+s10+$0x0], $0xffff;
	_ =	sdelay $0x4  }
0x8f: {  	[tilespmem:$0xB10] =	vst v2  }
0x90: {  	v2 =	vld.idx.msk [tilespmem:v35+s10+$0x0], $0xffff;
	_ =	sdelay $0x4  }
0x91: {  	[tilespmem:$0xB20] =	vst v2  }
0x92: {  	v2 =	vld.idx.msk [tilespmem:v36+s10+$0x0], $0xffff;
	_ =	sdelay $0x4  }
0x93: {  	[tilespmem:$0xB30] =	vst v2  }
0x94: {  	v2 =	vld.idx.msk [tilespmem:v37+s10+$0x0], $0xffff;
	_ =	sdelay $0x4  }
0x95: {  	[tilespmem:$0xB40] =	vst v2  }
0x96: {  	v2 =	vld.idx.msk [tilespmem:v38+s10+$0x0], $0xffff;
	_ =	sdelay $0x4  }
0x97: {  	[tilespmem:$0xB50] =	vst v2  }
0x98: {  	v2 =	vld.idx.msk [tilespmem:v39+s10+$0x0], $0xffff;
	_ =	sdelay $0x4  }
0x99: {  	[tilespmem:$0xB60] =	vst v2  }
0x9a: {  	v2 =	vld.idx.msk [tilespmem:v40+s10+$0x0], $0xffff;
	_ =	sdelay $0x4  }
0x9b: {  	[tilespmem:$0xB70] =	vst v2  }
0x9c: {  	v2 =	vld.idx.msk [tilespmem:v41+s10+$0x0], $0xffff;
	_ =	sdelay $0x4  }
0x9d: {  	[tilespmem:$0xB80] =	vst v2  }
0x9e: {  	v2 =	vld.idx.msk [tilespmem:v42+s10+$0x0], $0xffff;
	_ =	sdelay $0x4  }
0x9f: {  	[tilespmem:$0xB90] =	vst v2  }
0xa0: {  	v2 =	vld.idx.msk [tilespmem:v43+s10+$0x0], $0xffff;
	_ =	sdelay $0x4  }
0xa1: {  	[tilespmem:$0xBA0] =	vst v2  }
0xa2: {  	v2 =	vld.idx.msk [tilespmem:v44+s10+$0x0], $0xffff;
	_ =	sdelay $0x4  }
0xa3: {  	[tilespmem:$0xBB0] =	vst v2  }
0xa4: {  	v2 =	vld.idx.msk [tilespmem:v45+s10+$0x0], $0xffff;
	_ =	sdelay $0x4  }
0xa5: {  	[tilespmem:$0xBC0] =	vst v2  }
0xa6: {  	v2 =	vld.idx.msk [tilespmem:v46+s10+$0x0], $0xffff;
	_ =	sdelay $0x4  }
0xa7: {  	[tilespmem:$0xBD0] =	vst v2  }
0xa8: {  	v2 =	vld.idx.msk [tilespmem:v47+s10+$0x0], $0xffff;
	_ =	sdelay $0x4  }
0xa9: {  	[tilespmem:$0xBE0] =	vst v2  }
0xaa: {  	v2 =	vld.idx.msk [tilespmem:v48+s10+$0x0], $0xffff;
	_ =	sdelay $0x4  }
0xab: {  	[tilespmem:$0xBF0] =	vst v2  }
0xac: {  	v2 =	vld.idx.msk [tilespmem:v49+s10+$0x0], $0xffff;
	_ =	sdelay $0x4  }
0xad: {  	[tilespmem:$0xC00] =	vst v2  }
0xae: {  	v2 =	vld.idx.msk [tilespmem:v50+s10+$0x0], $0xffff;
	_ =	sdelay $0x4  }
0xaf: {  	[tilespmem:$0xC10] =	vst v2  }
0xb0: {  	v2 =	vld.idx.msk [tilespmem:v51+s10+$0x0], $0xffff;
	_ =	sdelay $0x4  }
0xb1: {  	[tilespmem:$0xC20] =	vst v2  }
0xb2: {  	v2 =	vld.idx.msk [tilespmem:v52+s10+$0x0], $0xffff;
	_ =	sdelay $0x4  }
0xb3: {  	[tilespmem:$0xC30] =	vst v2  }
0xb4: {  	v2 =	vld.idx.msk [tilespmem:v53+s10+$0x0], $0xffff;
	_ =	sdelay $0x4  }
0xb5: {  	[tilespmem:$0xC40] =	vst v2  }
0xb6: {  	v2 =	vld.idx.msk [tilespmem:v54+s10+$0x0], $0xffff;
	_ =	sdelay $0x4  }
0xb7: {  	[tilespmem:$0xC50] =	vst v2  }
0xb8: {  	v2 =	vld.idx.msk [tilespmem:v55+s10+$0x0], $0xffff;
	_ =	sdelay $0x4  }
0xb9: {  	[tilespmem:$0xC60] =	vst v2  }
0xba: {  	v2 =	vld.idx.msk [tilespmem:v56+s10+$0x0], $0xffff;
	_ =	sdelay $0x4  }
0xbb: {  	[tilespmem:$0xC70] =	vst v2  }
0xbc: {  	v2 =	vld.idx.msk [tilespmem:v57+s10+$0x0], $0xffff;
	_ =	sdelay $0x4  }
0xbd: {  	[tilespmem:$0xC80] =	vst v2  }
0xbe: {  	v2 =	vld.idx.msk [tilespmem:v58+s10+$0x0], $0xffff;
	_ =	sdelay $0x4  }
0xbf: {  	[tilespmem:$0xC90] =	vst v2  }
0xc0: {  	v2 =	vld.idx.msk [tilespmem:v59+s10+$0x0], $0xffff;
	_ =	sdelay $0x4  }
0xc1: {  	[tilespmem:$0xCA0] =	vst v2  }
0xc2: {  	v2 =	vld.idx.msk [tilespmem:v60+s10+$0x0], $0xffff;
	_ =	sdelay $0x4  }
0xc3: {  	[tilespmem:$0xCB0] =	vst v2  }
0xc4: {  	v2 =	vld.idx.msk [tilespmem:v61+s10+$0x0], $0xffff;
	_ =	sdelay $0x4  }
0xc5: {  	[tilespmem:$0xCC0] =	vst v2  }
0xc6: {  	v2 =	vld.idx.msk [tilespmem:v62+s10+$0x0], $0xffff;
	_ =	sdelay $0x4  }
0xc7: {  	[tilespmem:$0xCD0] =	vst v2  }
0xc8: {  	v2 =	vld.idx.msk [tilespmem:v63+s10+$0x0], $0xffff  }
0xc9: {  	v3 =	vor.u32 $0x783, v0;
	_ =	sdelay $0x3  }
0xca: {  	[tilespmem:$0xCE0] =	vst v2  }
0xcb: {  	v2 =	vld.idx.msk [tilespmem:v3+s10+$0x0], $0xffff  }
0xcc: {  	v3 =	vor.u32 $0x4, v0;
	_ =	sdelay $0x3  }
0xcd: {  	[tilespmem:$0xCF0] =	vst v2  }
0xce: {  	v2 =	vld.idx.msk [tilespmem:v3+s10+$0x0], $0xffff  }
0xcf: {  	v3 =	vor.u32 $0x84, v0;
	_ =	sdelay $0x3  }
0xd0: {  	[tilespmem:$0xD00] =	vst v2  }
0xd1: {  	v2 =	vld.idx.msk [tilespmem:v3+s10+$0x0], $0xffff  }
0xd2: {  	v3 =	vor.u32 $0x104, v0;
	_ =	sdelay $0x3  }
0xd3: {  	[tilespmem:$0xD10] =	vst v2  }
0xd4: {  	v2 =	vld.idx.msk [tilespmem:v3+s10+$0x0], $0xffff  }
0xd5: {  	v3 =	vor.u32 $0x184, v0;
	_ =	sdelay $0x3  }
0xd6: {  	[tilespmem:$0xD20] =	vst v2  }
0xd7: {  	v2 =	vld.idx.msk [tilespmem:v3+s10+$0x0], $0xffff  }
0xd8: {  	v3 =	vor.u32 $0x204, v0;
	_ =	sdelay $0x3  }
0xd9: {  	[tilespmem:$0xD30] =	vst v2  }
0xda: {  	v2 =	vld.idx.msk [tilespmem:v3+s10+$0x0], $0xffff  }
0xdb: {  	v3 =	vor.u32 $0x284, v0;
	_ =	sdelay $0x3  }
0xdc: {  	[tilespmem:$0xD40] =	vst v2  }
0xdd: {  	v2 =	vld.idx.msk [tilespmem:v3+s10+$0x0], $0xffff  }
0xde: {  	v3 =	vor.u32 $0x304, v0;
	_ =	sdelay $0x3  }
0xdf: {  	[tilespmem:$0xD50] =	vst v2  }
0xe0: {  	v2 =	vld.idx.msk [tilespmem:v3+s10+$0x0], $0xffff  }
0xe1: {  	v3 =	vor.u32 $0x384, v0;
	_ =	sdelay $0x3  }
0xe2: {  	[tilespmem:$0xD60] =	vst v2  }
0xe3: {  	v2 =	vld.idx.msk [tilespmem:v3+s10+$0x0], $0xffff  }
0xe4: {  	v3 =	vor.u32 $0x404, v0;
	_ =	sdelay $0x3  }
0xe5: {  	[tilespmem:$0xD70] =	vst v2  }
0xe6: {  	v2 =	vld.idx.msk [tilespmem:v3+s10+$0x0], $0xffff  }
0xe7: {  	v3 =	vor.u32 $0x484, v0;
	_ =	sdelay $0x3  }
0xe8: {  	[tilespmem:$0xD80] =	vst v2  }
0xe9: {  	v2 =	vld.idx.msk [tilespmem:v3+s10+$0x0], $0xffff  }
0xea: {  	v3 =	vor.u32 $0x504, v0;
	_ =	sdelay $0x3  }
0xeb: {  	[tilespmem:$0xD90] =	vst v2  }
0xec: {  	v2 =	vld.idx.msk [tilespmem:v3+s10+$0x0], $0xffff  }
0xed: {  	v3 =	vor.u32 $0x584, v0;
	_ =	sdelay $0x3  }
0xee: {  	[tilespmem:$0xDA0] =	vst v2  }
0xef: {  	v2 =	vld.idx.msk [tilespmem:v3+s10+$0x0], $0xffff  }
0xf0: {  	v3 =	vor.u32 $0x604, v0;
	_ =	sdelay $0x3  }
0xf1: {  	[tilespmem:$0xDB0] =	vst v2  }
0xf2: {  	v2 =	vld.idx.msk [tilespmem:v3+s10+$0x0], $0xffff  }
0xf3: {  	v3 =	vor.u32 $0x684, v0;
	_ =	sdelay $0x3  }
0xf4: {  	[tilespmem:$0xDC0] =	vst v2  }
0xf5: {  	v2 =	vld.idx.msk [tilespmem:v3+s10+$0x0], $0xffff  }
0xf6: {  	v3 =	vor.u32 $0x704, v0;
	_ =	sdelay $0x3  }
0xf7: {  	[tilespmem:$0xDD0] =	vst v2  }
0xf8: {  	v2 =	vld.idx.msk [tilespmem:v3+s10+$0x0], $0xffff  }
0xf9: {  	v3 =	vor.u32 $0x784, v0;
	_ =	sdelay $0x3  }
0xfa: {  	[tilespmem:$0xDE0] =	vst v2  }
0xfb: {  	v2 =	vld.idx.msk [tilespmem:v3+s10+$0x0], $0xffff  }
0xfc: {  	v3 =	vor.u32 $0x5, v0;
	_ =	sdelay $0x3  }
0xfd: {  	[tilespmem:$0xDF0] =	vst v2  }
0xfe: {  	v2 =	vld.idx.msk [tilespmem:v3+s10+$0x0], $0xffff  }
0xff: {  	v3 =	vor.u32 $0x85, v0;
	_ =	sdelay $0x3  }
0x100: {  	[tilespmem:$0xE00] =	vst v2  }
0x101: {  	v2 =	vld.idx.msk [tilespmem:v3+s10+$0x0], $0xffff  }
0x102: {  	v3 =	vor.u32 $0x105, v0;
	_ =	sdelay $0x3  }
0x103: {  	[tilespmem:$0xE10] =	vst v2  }
0x104: {  	v2 =	vld.idx.msk [tilespmem:v3+s10+$0x0], $0xffff  }
0x105: {  	v3 =	vor.u32 $0x185, v0;
	_ =	sdelay $0x3  }
0x106: {  	[tilespmem:$0xE20] =	vst v2  }
0x107: {  	v2 =	vld.idx.msk [tilespmem:v3+s10+$0x0], $0xffff  }
0x108: {  	v3 =	vor.u32 $0x205, v0;
	_ =	sdelay $0x3  }
0x109: {  	[tilespmem:$0xE30] =	vst v2  }
0x10a: {  	v2 =	vld.idx.msk [tilespmem:v3+s10+$0x0], $0xffff  }
0x10b: {  	v3 =	vor.u32 $0x285, v0;
	_ =	sdelay $0x3  }
0x10c: {  	[tilespmem:$0xE40] =	vst v2  }
0x10d: {  	v2 =	vld.idx.msk [tilespmem:v3+s10+$0x0], $0xffff  }
0x10e: {  	v3 =	vor.u32 $0x305, v0;
	_ =	sdelay $0x3  }
0x10f: {  	[tilespmem:$0xE50] =	vst v2  }
0x110: {  	v2 =	vld.idx.msk [tilespmem:v3+s10+$0x0], $0xffff  }
0x111: {  	v3 =	vor.u32 $0x385, v0;
	_ =	sdelay $0x3  }
0x112: {  	[tilespmem:$0xE60] =	vst v2  }
0x113: {  	v2 =	vld.idx.msk [tilespmem:v3+s10+$0x0], $0xffff  }
0x114: {  	v3 =	vor.u32 $0x405, v0;
	_ =	sdelay $0x3  }
0x115: {  	[tilespmem:$0xE70] =	vst v2  }
0x116: {  	v2 =	vld.idx.msk [tilespmem:v3+s10+$0x0], $0xffff  }
0x117: {  	v3 =	vor.u32 $0x485, v0;
	_ =	sdelay $0x3  }
0x118: {  	[tilespmem:$0xE80] =	vst v2  }
0x119: {  	v2 =	vld.idx.msk [tilespmem:v3+s10+$0x0], $0xffff  }
0x11a: {  	v3 =	vor.u32 $0x505, v0;
	_ =	sdelay $0x3  }
0x11b: {  	[tilespmem:$0xE90] =	vst v2  }
0x11c: {  	v2 =	vld.idx.msk [tilespmem:v3+s10+$0x0], $0xffff  }
0x11d: {  	v3 =	vor.u32 $0x585, v0;
	_ =	sdelay $0x3  }
0x11e: {  	[tilespmem:$0xEA0] =	vst v2  }
0x11f: {  	v2 =	vld.idx.msk [tilespmem:v3+s10+$0x0], $0xffff  }
0x120: {  	v3 =	vor.u32 $0x605, v0;
	_ =	sdelay $0x3  }
0x121: {  	[tilespmem:$0xEB0] =	vst v2  }
0x122: {  	v2 =	vld.idx.msk [tilespmem:v3+s10+$0x0], $0xffff  }
0x123: {  	v3 =	vor.u32 $0x685, v0;
	_ =	sdelay $0x3  }
0x124: {  	[tilespmem:$0xEC0] =	vst v2  }
0x125: {  	v2 =	vld.idx.msk [tilespmem:v3+s10+$0x0], $0xffff  }
0x126: {  	v3 =	vor.u32 $0x705, v0;
	_ =	sdelay $0x3  }
0x127: {  	[tilespmem:$0xED0] =	vst v2  }
0x128: {  	v2 =	vld.idx.msk [tilespmem:v3+s10+$0x0], $0xffff  }
0x129: {  	v3 =	vor.u32 $0x785, v0;
	_ =	sdelay $0x3  }
0x12a: {  	[tilespmem:$0xEE0] =	vst v2  }
0x12b: {  	v2 =	vld.idx.msk [tilespmem:v3+s10+$0x0], $0xffff  }
0x12c: {  	v3 =	vor.u32 $0x6, v0;
	_ =	sdelay $0x3  }
0x12d: {  	[tilespmem:$0xEF0] =	vst v2  }
0x12e: {  	v2 =	vld.idx.msk [tilespmem:v3+s10+$0x0], $0xffff  }
0x12f: {  	v3 =	vor.u32 $0x86, v0;
	_ =	sdelay $0x3  }
0x130: {  	[tilespmem:$0xF00] =	vst v2  }
0x131: {  	v2 =	vld.idx.msk [tilespmem:v3+s10+$0x0], $0xffff  }
0x132: {  	v3 =	vor.u32 $0x106, v0;
	_ =	sdelay $0x3  }
0x133: {  	[tilespmem:$0xF10] =	vst v2  }
0x134: {  	v2 =	vld.idx.msk [tilespmem:v3+s10+$0x0], $0xffff  }
0x135: {  	v3 =	vor.u32 $0x186, v0;
	_ =	sdelay $0x3  }
0x136: {  	[tilespmem:$0xF20] =	vst v2  }
0x137: {  	v2 =	vld.idx.msk [tilespmem:v3+s10+$0x0], $0xffff  }
0x138: {  	v3 =	vor.u32 $0x206, v0;
	_ =	sdelay $0x3  }
0x139: {  	[tilespmem:$0xF30] =	vst v2  }
0x13a: {  	v2 =	vld.idx.msk [tilespmem:v3+s10+$0x0], $0xffff  }
0x13b: {  	v3 =	vor.u32 $0x286, v0;
	_ =	sdelay $0x3  }
0x13c: {  	[tilespmem:$0xF40] =	vst v2  }
0x13d: {  	v2 =	vld.idx.msk [tilespmem:v3+s10+$0x0], $0xffff  }
0x13e: {  	v3 =	vor.u32 $0x306, v0;
	_ =	sdelay $0x3  }
0x13f: {  	[tilespmem:$0xF50] =	vst v2  }
0x140: {  	v2 =	vld.idx.msk [tilespmem:v3+s10+$0x0], $0xffff  }
0x141: {  	v3 =	vor.u32 $0x386, v0;
	_ =	sdelay $0x3  }
0x142: {  	[tilespmem:$0xF60] =	vst v2  }
0x143: {  	v2 =	vld.idx.msk [tilespmem:v3+s10+$0x0], $0xffff  }
0x144: {  	v3 =	vor.u32 $0x406, v0;
	_ =	sdelay $0x3  }
0x145: {  	[tilespmem:$0xF70] =	vst v2  }
0x146: {  	v2 =	vld.idx.msk [tilespmem:v3+s10+$0x0], $0xffff  }
0x147: {  	v3 =	vor.u32 $0x486, v0;
	_ =	sdelay $0x3  }
0x148: {  	[tilespmem:$0xF80] =	vst v2  }
0x149: {  	v2 =	vld.idx.msk [tilespmem:v3+s10+$0x0], $0xffff  }
0x14a: {  	v3 =	vor.u32 $0x506, v0;
	_ =	sdelay $0x3  }
0x14b: {  	[tilespmem:$0xF90] =	vst v2  }
0x14c: {  	v2 =	vld.idx.msk [tilespmem:v3+s10+$0x0], $0xffff  }
0x14d: {  	v3 =	vor.u32 $0x586, v0;
	_ =	sdelay $0x3  }
0x14e: {  	[tilespmem:$0xFA0] =	vst v2  }
0x14f: {  	v2 =	vld.idx.msk [tilespmem:v3+s10+$0x0], $0xffff  }
0x150: {  	v3 =	vor.u32 $0x606, v0;
	_ =	sdelay $0x3  }
0x151: {  	[tilespmem:$0xFB0] =	vst v2  }
0x152: {  	v2 =	vld.idx.msk [tilespmem:v3+s10+$0x0], $0xffff  }
0x153: {  	v3 =	vor.u32 $0x686, v0;
	_ =	sdelay $0x3  }
0x154: {  	[tilespmem:$0xFC0] =	vst v2  }
0x155: {  	v2 =	vld.idx.msk [tilespmem:v3+s10+$0x0], $0xffff  }
0x156: {  	v3 =	vor.u32 $0x706, v0;
	_ =	sdelay $0x3  }
0x157: {  	[tilespmem:$0xFD0] =	vst v2  }
0x158: {  	v2 =	vld.idx.msk [tilespmem:v3+s10+$0x0], $0xffff  }
0x159: {  	v3 =	vor.u32 $0x786, v0;
	_ =	sdelay $0x3  }
0x15a: {  	[tilespmem:$0xFE0] =	vst v2  }
0x15b: {  	v2 =	vld.idx.msk [tilespmem:v3+s10+$0x0], $0xffff  }
0x15c: {  	v3 =	vor.u32 $0x7, v0;
	_ =	sdelay $0x3  }
0x15d: {  	[tilespmem:$0xFF0] =	vst v2  }
0x15e: {  	v2 =	vld.idx.msk [tilespmem:v3+s10+$0x0], $0xffff  }
0x15f: {  	v3 =	vor.u32 $0x87, v0;
	_ =	sdelay $0x3  }
0x160: {  	[tilespmem:$0x1000] =	vst v2  }
0x161: {  	v2 =	vld.idx.msk [tilespmem:v3+s10+$0x0], $0xffff  }
0x162: {  	v3 =	vor.u32 $0x107, v0;
	_ =	sdelay $0x3  }
0x163: {  	[tilespmem:$0x1010] =	vst v2  }
0x164: {  	v2 =	vld.idx.msk [tilespmem:v3+s10+$0x0], $0xffff  }
0x165: {  	v3 =	vor.u32 $0x187, v0;
	_ =	sdelay $0x3  }
0x166: {  	[tilespmem:$0x1020] =	vst v2  }
0x167: {  	v2 =	vld.idx.msk [tilespmem:v3+s10+$0x0], $0xffff  }
0x168: {  	v3 =	vor.u32 $0x207, v0;
	_ =	sdelay $0x3  }
0x169: {  	[tilespmem:$0x1030] =	vst v2  }
0x16a: {  	v2 =	vld.idx.msk [tilespmem:v3+s10+$0x0], $0xffff  }
0x16b: {  	v3 =	vor.u32 $0x287, v0;
	_ =	sdelay $0x3  }
0x16c: {  	[tilespmem:$0x1040] =	vst v2  }
0x16d: {  	v2 =	vld.idx.msk [tilespmem:v3+s10+$0x0], $0xffff  }
0x16e: {  	v3 =	vor.u32 $0x307, v0;
	_ =	sdelay $0x3  }
0x16f: {  	[tilespmem:$0x1050] =	vst v2  }
0x170: {  	v2 =	vld.idx.msk [tilespmem:v3+s10+$0x0], $0xffff  }
0x171: {  	v3 =	vor.u32 $0x387, v0;
	_ =	sdelay $0x3  }
0x172: {  	[tilespmem:$0x1060] =	vst v2  }
0x173: {  	v2 =	vld.idx.msk [tilespmem:v3+s10+$0x0], $0xffff  }
0x174: {  	v3 =	vor.u32 $0x407, v0;
	_ =	sdelay $0x3  }
0x175: {  	[tilespmem:$0x1070] =	vst v2  }
0x176: {  	v2 =	vld.idx.msk [tilespmem:v3+s10+$0x0], $0xffff  }
0x177: {  	v3 =	vor.u32 $0x487, v0;
	_ =	sdelay $0x3  }
0x178: {  	[tilespmem:$0x1080] =	vst v2  }
0x179: {  	v2 =	vld.idx.msk [tilespmem:v3+s10+$0x0], $0xffff  }
0x17a: {  	v3 =	vor.u32 $0x507, v0;
	_ =	sdelay $0x3  }
0x17b: {  	[tilespmem:$0x1090] =	vst v2  }
0x17c: {  	v2 =	vld.idx.msk [tilespmem:v3+s10+$0x0], $0xffff  }
0x17d: {  	v3 =	vor.u32 $0x587, v0;
	_ =	sdelay $0x3  }
0x17e: {  	[tilespmem:$0x10A0] =	vst v2  }
0x17f: {  	v2 =	vld.idx.msk [tilespmem:v3+s10+$0x0], $0xffff  }
0x180: {  	v3 =	vor.u32 $0x607, v0;
	_ =	sdelay $0x3  }
0x181: {  	[tilespmem:$0x10B0] =	vst v2  }
0x182: {  	v2 =	vld.idx.msk [tilespmem:v3+s10+$0x0], $0xffff  }
0x183: {  	v3 =	vor.u32 $0x687, v0;
	_ =	sdelay $0x3  }
0x184: {  	[tilespmem:$0x10C0] =	vst v2  }
0x185: {  	v2 =	vld.idx.msk [tilespmem:v3+s10+$0x0], $0xffff  }
0x186: {  	v3 =	vor.u32 $0x707, v0;
	_ =	sdelay $0x3  }
0x187: {  	[tilespmem:$0x10D0] =	vst v2  }
0x188: {  	v2 =	vld.idx.msk [tilespmem:v3+s10+$0x0], $0xffff  }
0x189: {  	v3 =	vor.u32 $0x787, v0;
	_ =	sdelay $0x3  }
0x18a: {  	[tilespmem:$0x10E0] =	vst v2  }
0x18b: {  	v2 =	vld.idx.msk [tilespmem:v3+s10+$0x0], $0xffff;
	_ =	sdelay $0x4  }
0x18c: {  	[tilespmem:$0x10F0] =	vst v2  }
0x18d: {  	[bflag:$0x0] =	sbarrier.arrive $0xFFFF  }
0x18e: {  	[tilespmem:s16], [sflag:$0x1] =	stream.indirect.gather.add.f32 [spmem:s2], $0x10, s15, s10, $0xb8;
	[tilespmem:$0x2200] =	vst v63  }
0x18f: {  	_ = 	snop  }
0x190: {  	[tilespmem:s16], [sflag:$0x1] =	stream.indirect.gather.add.f32 [spmem:s2], $0x10, s17, s10, $0xb8;
	[tilespmem:$0x2200] =	vst v63  }
0x191: {  	_ = 	snop  }
0x192: {  	[tilespmem:s16], [sflag:$0x1] =	stream.indirect.gather.add.f32 [spmem:s2], $0x10, s18, s10, $0xb8;
	[tilespmem:$0x2200] =	vst v63  }
0x193: {  	_ = 	snop  }
0x194: {  	[tilespmem:s16], [sflag:$0x1] =	stream.indirect.gather.add.f32 [spmem:s2], $0x10, s19, s10, $0xb8;
	[tilespmem:$0x2200] =	vst v63  }
0x195: {  	_ = 	snop  }
0x196: {  	[tilespmem:s16], [sflag:$0x1] =	stream.indirect.gather.add.f32 [spmem:s2], $0x10, s20, s10, $0xb8;
	[tilespmem:$0x2200] =	vst v63  }
0x197: {  	_ = 	snop  }
0x198: {  	[tilespmem:s16], [sflag:$0x1] =	stream.indirect.gather.add.f32 [spmem:s2], $0x10, s21, s10, $0xb8;
	[tilespmem:$0x2200] =	vst v63  }
0x199: {  	_ = 	snop  }
0x19a: {  	[tilespmem:s16], [sflag:$0x1] =	stream.indirect.gather.add.f32 [spmem:s2], $0x10, s22, s10, $0xb8;
	[tilespmem:$0x2200] =	vst v63  }
0x19b: {  	_ = 	snop  }
0x19c: {  	[tilespmem:s16], [sflag:$0x1] =	stream.indirect.gather.add.f32 [spmem:s2], $0x10, s23, s10, $0xb8;
	[tilespmem:$0x2200] =	vst v63  }
0x19d: {  	_ =	swait.ge [sflag:s4], $0x1000  }
0x19e: {  	[sflag:s4] =	ssyncset.done $0x0  }
0x19f: {  	[sflag:s4] =	ssyncadd.s32 $0xFFFFF000  }
0x1a0: {  	_ =	swait.ge [sflag:s4], $0x1000  }
0x1a1: {  	[sflag:s4] =	ssyncset.done $0x0  }
0x1a2: {  	[sflag:s4] =	ssyncadd.s32 $0xFFFFF000  }
0x1a3: {  	_ =	swait.ge [sflag:s4], $0x1000  }
0x1a4: {  	[sflag:s4] =	ssyncset.done $0x0  }
0x1a5: {  	[sflag:s4] =	ssyncadd.s32 $0xFFFFF000  }
0x1a6: {  	_ =	swait.ge [sflag:s4], $0x1000  }
0x1a7: {  	[sflag:s4] =	ssyncset.done $0x0  }
0x1a8: {  	[sflag:s4] =	ssyncadd.s32 $0xFFFFF000  }
0x1a9: {  	_ =	swait.ge [sflag:s4], $0x1000  }
0x1aa: {  	[sflag:s4] =	ssyncset.done $0x0  }
0x1ab: {  	[sflag:s4] =	ssyncadd.s32 $0xFFFFF000  }
0x1ac: {  	_ =	swait.ge [sflag:s4], $0x1000  }
0x1ad: {  	[sflag:s4] =	ssyncset.done $0x0  }
0x1ae: {  	[sflag:s4] =	ssyncadd.s32 $0xFFFFF000  }
0x1af: {  	_ =	swait.ge [sflag:s4], $0x1000  }
0x1b0: {  	[sflag:s4] =	ssyncset.done $0x0  }
0x1b1: {  	[sflag:s4] =	ssyncadd.s32 $0xFFFFF000  }
0x1b2: {  	s24 =	sadd.s32 $0x1, s24;
	_ =	swait.ge [sflag:s4], $0x1000  }
0x1b3: {  	p0 =	sne.s32 s24, s9;
	[sflag:s4] =	ssyncset.done $0x0  }
.Ltmp1:
0x1b4: {  	[sflag:s4] =	ssyncadd.s32 $0xFFFFF000;
	(pc) =	sbr.rel @p0 .LBB2_1-.Ltmp1, $4  }
0x1b5: {  	[hbm4b:s8+s3] =	stream.linear.scatter [tilespmem:s16], [sflag:$0x4], $0x1000, $0x38;
	[tilespmem:$0x2200] =	vst v63  }
0x1b6: {  	_ =	swait.ge [sflag:s13], $0x1000  }
0x1b7: {  	[sflag:s13] =	ssyncset.done $0x0  }
0x1b8: {  	[sflag:s13] =	ssyncadd.s32 $0xFFFFF000  }
0x1b9: {  	_ =	sfence.sel $0x180000  }
0x1ba: {  	[bflag:$0x0] =	sbarrier.arrive $0xFFFF  }
0x1bb: {  	p0 =	sne.s32 s0, $0x0;
	_ =	strace $0x90000047  }
0x1bc: {  	s0 =	sadd.s32 @!p0 $0x100000, s1;
	[bflag:$0x2] =	sbarrier.arrive $0xFFFF  }
0x1bd: {  	[sflag:s0] =	ssyncadd.tile.s32 @!p0 $0x1;
	_ =	shalt  }
.Lfunc_end2:
_tile_overlayer_lowered:
.L_overlay_start_2:
0x1be: {  	(tag) =	ssettag $0x2  }
0x1bf: {  	s0 =	rddreg [dreg:$0x0];
	s2 =	stileid.u32  }
0x1c0: {  	s1 =	rddreg [dreg:$0x1];
	p0 =	sne.s32 s2, $0x0  }
0x1c1: {  	s3 =	rddreg [dreg:$0x2];
	[bflag:$0x3] =	sbarrier.arrive $0xFFFF;
	s2 =	simm.s32 @!p0 $0x1C04  }
0x1c2: {  	[timem:s3], [sflag:s2] =	dma.local @!p0 [hbm:s0], s1  }
0x1c3: {  	s0 =	simm.s32 @!p0 $0x4  }
0x1c4: {  	_ =	swait.ge @!p0 [sflag:s0], s1  }
0x1c5: {  	s1 =	ssub.s32 @!p0 $0x0, s1;
	[sflag:s0] =	ssyncset.done @!p0 $0x0  }
0x1c6: {  	[sflag:s0] =	ssyncadd.s32 @!p0 s1  }
0x1c7: {  	[bflag:$0x3] =	sbarrier.arrive $0xFFFF  }
0x1c8: {  	_ =	shalt  }

</sc_bundles>
